<compile_context>
chip_gen: v7x
topology: tpu7x:2x2x1
jax: 0.10.2.dev20260603
libtpu: 0.0.44.dev20260713+nightly
codegen_flags: <defaults>
</compile_context>

<pallas_src>
import jax
import jax.numpy as jnp
from jax import lax
from jax.experimental import pallas as pl
from jax.experimental.pallas import tpu as pltpu
from jax.experimental.pallas import tpu_sc as plsc

NUM_TAG = 100000
D = 128
BATCH = 4096
HIST = 50
N = BATCH * HIST
NG = N // 8
NC, NS = 2, 16
NW = NC * NS
GPW = NG // NW
G = 10
NSLOT = 4
NCH = GPW // G
NQ = NCH // NSLOT


def _sc_body(x_hbm, tags_hbm, table_hbm, out_hbm, idx_all, *bufs_and_sems):
    xbufs = bufs_and_sems[0:4]
    ebufs = bufs_and_sems[4:8]
    sxs = bufs_and_sems[8:12]
    ses = bufs_and_sems[12:16]
    wxs = bufs_and_sems[16:20]
    wes = bufs_and_sems[20:24]

    wid = lax.axis_index("s") * NC + lax.axis_index("c")
    gbase = wid * GPW

    pltpu.sync_copy(tags_hbm.at[pl.ds(gbase * 8, GPW * 8)], idx_all)

    def xload(j, s):
        return pltpu.make_async_copy(
            x_hbm.at[pl.ds(gbase + j * G, G)], xbufs[s], sxs[s])

    def eload(j, s):
        return pltpu.make_async_copy(
            table_hbm.at[idx_all.at[pl.ds(j * G * 8, G * 8)]], ebufs[s], ses[s])

    def xstore(j, s):
        return pltpu.make_async_copy(
            xbufs[s], out_hbm.at[pl.ds(gbase + j * G, G), pl.ds(0, 8), :],
            wxs[s])

    def estore(j, s):
        return pltpu.make_async_copy(
            ebufs[s].reshape(G, 8, D),
            out_hbm.at[pl.ds(gbase + j * G, G), pl.ds(8, 8), :],
            wes[s])

    xload(0, 0).start()
    eload(0, 0).start()
    xload(1, 1).start()
    eload(1, 1).start()

    def turn_body(q, _):
        for s in range(NSLOT):
            j = q * NSLOT + s
            sl = (s + 2) % NSLOT

            @pl.when(j + 2 < NCH)
            def _():
                @pl.when(j >= 2)
                def _():
                    xstore(j - 2, sl).wait()
                    estore(j - 2, sl).wait()
                xload(j + 2, sl).start()
                eload(j + 2, sl).start()

            xload(j, s).wait()
            eload(j, s).wait()
            xstore(j, s).start()
            estore(j, s).start()
        return 0

    lax.fori_loop(0, NQ, turn_body, 0)
    for j in range(NCH - 4, NCH):
        xstore(j, j % NSLOT).wait()
        estore(j, j % NSLOT).wait()


@jax.jit
def _concat_tag(x, tags, table):
    x_p = x.transpose(1, 0, 2).reshape(NG, 8, D)
    tags_t = tags.transpose(1, 0).reshape(N).astype(jnp.int32)
    mesh = plsc.VectorSubcoreMesh(core_axis_name="c", subcore_axis_name="s")
    buf = pl.kernel(
        _sc_body,
        out_type=jax.ShapeDtypeStruct((NG, 16, D), jnp.float32),
        mesh=mesh,
        scratch_types=[pltpu.VMEM((GPW * 8,), jnp.int32)]
        + [pltpu.VMEM((G, 8, D), jnp.float32)] * NSLOT
        + [pltpu.VMEM((G * 8, D), jnp.float32)] * NSLOT
        + [pltpu.SemaphoreType.DMA] * (4 * NSLOT),
        name="sc_concat_tag",
    )(x_p, tags_t, table)
    out = buf.reshape(NG, 2, 8, D).transpose(0, 2, 1, 3).reshape(N, 2 * D)
    return out.reshape(HIST, BATCH, 2 * D).transpose(1, 0, 2)


def kernel(x, tags, table):
    return _concat_tag(x, tags, table)

# --- scband reference (transcript-rebuilt; emitter-appended) ---
"""Pipeline reference for scband-concat-tag-16922171147057 (READ-ONLY COPY).

The authoritative reference and input builder live on the scoring server;
editing this copy changes nothing except your own understanding.
"""

import jax, jax.numpy as jnp
import numpy as np

NUM_TAG = 100000
D_TAG = 128
BATCH = 4096
HIST = 50
D_X = 128


def setup_inputs(seed: int = 0) -> dict:
    key = jax.random.key(seed)
    k1, k2, k3 = jax.random.split(key, 3)
    x = jax.random.normal(k1, (BATCH, HIST, D_X), dtype=jnp.float32)
    tags = jax.random.randint(k2, (BATCH, HIST), 0, NUM_TAG)
    # Embedding table (learned parameter); row 0 is the padding row.
    table = jax.random.normal(k3, (NUM_TAG, D_TAG), dtype=jnp.float32) * 0.02
    table = table.at[0].set(0.0)
    return {"x": x, "tags": tags, "table": table}


def reference(x, tags, table):
    # nn.Embedding with padding_idx=0: row 0 always maps to zeros.
    t = table.at[0].set(jnp.zeros((table.shape[1],), dtype=table.dtype))
    emb = jnp.take(t, tags, axis=0)
    return jnp.concatenate((x, emb), axis=-1)

if __name__ == "__main__":
    import jax
    _d = setup_inputs()
    print(jax.jit(kernel)(*tuple(_d.values())))

</pallas_src>

<mosaic_0001>
#map = affine_map<(d0, d1) -> (0, 0, 0)>
#map1 = affine_map<(d0, d1) -> (0)>
#map2 = affine_map<(d0, d1) -> (0, 0)>
module attributes {stable_mosaic.version = 14 : i64} {
  func.func @sc_concat_tag(%arg0: i32, %arg1: i32, %arg2: memref<25600x8x128xf32, #tpu.memory_space<hbm>>, %arg3: memref<204800xi32, #tpu.memory_space<hbm>>, %arg4: memref<100000x128xf32, #tpu.memory_space<hbm>>, %arg5: memref<25600x16x128xf32, #tpu.memory_space<hbm>>, %arg6: memref<6400xi32, #tpu.memory_space<vmem>>, %arg7: memref<10x8x128xf32, #tpu.memory_space<vmem>>, %arg8: memref<10x8x128xf32, #tpu.memory_space<vmem>>, %arg9: memref<10x8x128xf32, #tpu.memory_space<vmem>>, %arg10: memref<10x8x128xf32, #tpu.memory_space<vmem>>, %arg11: memref<80x128xf32, #tpu.memory_space<vmem>>, %arg12: memref<80x128xf32, #tpu.memory_space<vmem>>, %arg13: memref<80x128xf32, #tpu.memory_space<vmem>>, %arg14: memref<80x128xf32, #tpu.memory_space<vmem>>, %arg15: memref<!tpu.dma_semaphore, #tpu.memory_space<semaphore_mem>>, %arg16: memref<!tpu.dma_semaphore, #tpu.memory_space<semaphore_mem>>, %arg17: memref<!tpu.dma_semaphore, #tpu.memory_space<semaphore_mem>>, %arg18: memref<!tpu.dma_semaphore, #tpu.memory_space<semaphore_mem>>, %arg19: memref<!tpu.dma_semaphore, #tpu.memory_space<semaphore_mem>>, %arg20: memref<!tpu.dma_semaphore, #tpu.memory_space<semaphore_mem>>, %arg21: memref<!tpu.dma_semaphore, #tpu.memory_space<semaphore_mem>>, %arg22: memref<!tpu.dma_semaphore, #tpu.memory_space<semaphore_mem>>, %arg23: memref<!tpu.dma_semaphore, #tpu.memory_space<semaphore_mem>>, %arg24: memref<!tpu.dma_semaphore, #tpu.memory_space<semaphore_mem>>, %arg25: memref<!tpu.dma_semaphore, #tpu.memory_space<semaphore_mem>>, %arg26: memref<!tpu.dma_semaphore, #tpu.memory_space<semaphore_mem>>, %arg27: memref<!tpu.dma_semaphore, #tpu.memory_space<semaphore_mem>>, %arg28: memref<!tpu.dma_semaphore, #tpu.memory_space<semaphore_mem>>, %arg29: memref<!tpu.dma_semaphore, #tpu.memory_space<semaphore_mem>>, %arg30: memref<!tpu.dma_semaphore, #tpu.memory_space<semaphore_mem>>) attributes {dimension_semantics = [#tpu.dimension_semantics<core_parallel>, #tpu.dimension_semantics<subcore_parallel>], iteration_bounds = array<i64: 2, 16>, scalar_prefetch = 0 : i64, scratch_operands = 25 : i64, tpu.core_type = #tpu.core_type<sc_vector_subcore>, window_params = [{transform_indices = #map}, {transform_indices = #map1}, {transform_indices = #map2}, {transform_indices = #map}]} {
    %mul3A = arith.constant 2 : i32
    %mul3A_0 = arith.muli %arg1, %mul3A : i32
    %add3A = arith.addi %mul3A_0, %arg0 : i32
    %mul3A_1 = arith.constant 800 : i32
    %mul3A_2 = arith.muli %add3A, %mul3A_1 : i32
    %mul3A_3 = arith.constant 8 : i32
    %mul3A_4 = arith.muli %mul3A_2, %mul3A_3 : i32
    "tpu.region"() ({
      %run_scoped3A = tpu.sem_alloc : memref<!tpu.dma_semaphore, #tpu.memory_space<semaphore_mem>>
      %dma_start3A_107 = tpu.memref_slice %arg3[%mul3A_4] : memref<204800xi32, #tpu.memory_space<hbm>> -> memref<6400xi32, #tpu.memory_space<hbm>>
      %dma_start3A_108 = tpu.memref_slice %arg3[%mul3A_4] : memref<204800xi32, #tpu.memory_space<hbm>> -> memref<6400xi32, #tpu.memory_space<hbm>>
      tpu.enqueue_dma source(%dma_start3A_108 : memref<6400xi32, #tpu.memory_space<hbm>>) target(%arg6 : memref<6400xi32, #tpu.memory_space<vmem>>) target_semaphore(%run_scoped3A : memref<!tpu.dma_semaphore, #tpu.memory_space<semaphore_mem>>)
      %dma_wait3A_109 = tpu.memref_slice %arg3[%mul3A_4] : memref<204800xi32, #tpu.memory_space<hbm>> -> memref<6400xi32, #tpu.memory_space<hbm>>
      %dma_wait3A_110 = tpu.memref_slice %arg3[%mul3A_4] : memref<204800xi32, #tpu.memory_space<hbm>> -> memref<6400xi32, #tpu.memory_space<hbm>>
      tpu.wait_dma2 semaphore(%run_scoped3A : memref<!tpu.dma_semaphore, #tpu.memory_space<semaphore_mem>>) src(%dma_wait3A_110 : memref<6400xi32, #tpu.memory_space<hbm>>) dst(%arg6 : memref<6400xi32, #tpu.memory_space<vmem>>)
      tpu.yield
    }) : () -> ()
    %add3A_5 = arith.constant 0 : i32
    %add3A_6 = arith.addi %mul3A_2, %add3A_5 : i32
    %dma_start3A = arith.constant 0 : i32
    %dma_start3A_7 = arith.constant 0 : i32
    %dma_start3A_8 = tpu.memref_slice %arg2[%add3A_6, %dma_start3A, %dma_start3A_7] : memref<25600x8x128xf32, #tpu.memory_space<hbm>> -> memref<10x8x128xf32, #tpu.memory_space<hbm>>
    %dma_start3A_9 = arith.constant 0 : i32
    %dma_start3A_10 = arith.constant 0 : i32
    %dma_start3A_11 = tpu.memref_slice %arg2[%add3A_6, %dma_start3A_9, %dma_start3A_10] : memref<25600x8x128xf32, #tpu.memory_space<hbm>> -> memref<10x8x128xf32, #tpu.memory_space<hbm>>
    tpu.enqueue_dma source(%dma_start3A_11 : memref<10x8x128xf32, #tpu.memory_space<hbm>>) target(%arg7 : memref<10x8x128xf32, #tpu.memory_space<vmem>>) target_semaphore(%arg15 : memref<!tpu.dma_semaphore, #tpu.memory_space<semaphore_mem>>)
    %dma_start3A_12 = arith.constant 0 : i32
    %dma_start3A_13 = tpu.memref_slice %arg6[%dma_start3A_12] : memref<6400xi32, #tpu.memory_space<vmem>> -> memref<80xi32, #tpu.memory_space<vmem>>
    %dma_start3A_14 = arith.constant 0 : i32
    %dma_start3A_15 = arith.constant 0 : i32
    %dma_start3A_16 = tpu.memref_slice %arg4[%dma_start3A_14, %dma_start3A_15] : memref<100000x128xf32, #tpu.memory_space<hbm>> -> memref<100000x128xf32, #tpu.memory_space<hbm>>
    tpu.enqueue_indirect_dma source(%dma_start3A_16 : memref<100000x128xf32, #tpu.memory_space<hbm>>) target(%arg11 : memref<80x128xf32, #tpu.memory_space<vmem>>) offsets(%dma_start3A_13 : memref<80xi32, #tpu.memory_space<vmem>>) semaphore(%arg19 : memref<!tpu.dma_semaphore, #tpu.memory_space<semaphore_mem>>)
    %add3A_17 = arith.constant 10 : i32
    %add3A_18 = arith.addi %mul3A_2, %add3A_17 : i32
    %dma_start3A_19 = arith.constant 0 : i32
    %dma_start3A_20 = arith.constant 0 : i32
    %dma_start3A_21 = tpu.memref_slice %arg2[%add3A_18, %dma_start3A_19, %dma_start3A_20] : memref<25600x8x128xf32, #tpu.memory_space<hbm>> -> memref<10x8x128xf32, #tpu.memory_space<hbm>>
    %dma_start3A_22 = arith.constant 0 : i32
    %dma_start3A_23 = arith.constant 0 : i32
    %dma_start3A_24 = tpu.memref_slice %arg2[%add3A_18, %dma_start3A_22, %dma_start3A_23] : memref<25600x8x128xf32, #tpu.memory_space<hbm>> -> memref<10x8x128xf32, #tpu.memory_space<hbm>>
    tpu.enqueue_dma source(%dma_start3A_24 : memref<10x8x128xf32, #tpu.memory_space<hbm>>) target(%arg8 : memref<10x8x128xf32, #tpu.memory_space<vmem>>) target_semaphore(%arg16 : memref<!tpu.dma_semaphore, #tpu.memory_space<semaphore_mem>>)
    %dma_start3A_25 = arith.constant 80 : i32
    %dma_start3A_26 = tpu.memref_slice %arg6[%dma_start3A_25] : memref<6400xi32, #tpu.memory_space<vmem>> -> memref<80xi32, #tpu.memory_space<vmem>>
    %dma_start3A_27 = arith.constant 0 : i32
    %dma_start3A_28 = arith.constant 0 : i32
    %dma_start3A_29 = tpu.memref_slice %arg4[%dma_start3A_27, %dma_start3A_28] : memref<100000x128xf32, #tpu.memory_space<hbm>> -> memref<100000x128xf32, #tpu.memory_space<hbm>>
    tpu.enqueue_indirect_dma source(%dma_start3A_29 : memref<100000x128xf32, #tpu.memory_space<hbm>>) target(%arg12 : memref<80x128xf32, #tpu.memory_space<vmem>>) offsets(%dma_start3A_26 : memref<80xi32, #tpu.memory_space<vmem>>) semaphore(%arg20 : memref<!tpu.dma_semaphore, #tpu.memory_space<semaphore_mem>>)
    %scan3A = arith.constant 0 : i32
    %scan3A_30 = arith.constant 0 : i32
    %scan3A_31 = arith.constant 20 : i32
    %scan3A_32 = arith.addi %scan3A_30, %scan3A_31 : i32
    %scan3A_33 = arith.constant 1 : i32
    %scan3A_34 = scf.for %scan3A_107 = %scan3A_30 to %scan3A_32 step %scan3A_33 iter_args(%scan3A_108 = %scan3A) -> (i32)  : i32 {
      %mul3A_109 = arith.constant 4 : i32
      %mul3A_110 = arith.muli %scan3A_107, %mul3A_109 : i32
      %add3A_111 = arith.constant 0 : i32
      %add3A_112 = arith.addi %mul3A_110, %add3A_111 : i32
      %add3A_113 = arith.constant 2 : i32
      %add3A_114 = arith.addi %add3A_112, %add3A_113 : i32
      %lt3A = arith.constant 80 : i32
      %lt3A_115 = arith.cmpi slt, %add3A_114, %lt3A : i32
      %convert_element_type3A = arith.extui %lt3A_115 : i1 to i32
      %cond3A = arith.constant 0 : i32
      %cond3A_116 = arith.cmpi ne, %convert_element_type3A, %cond3A : i32
      scf.if %cond3A_116 {
        %ge3A = arith.constant 2 : i32
        %ge3A_299 = arith.cmpi sge, %add3A_112, %ge3A : i32
        %convert_element_type3A_300 = arith.extui %ge3A_299 : i1 to i32
        %cond3A_301 = arith.constant 0 : i32
        %cond3A_302 = arith.cmpi ne, %convert_element_type3A_300, %cond3A_301 : i32
        scf.if %cond3A_302 {
          %sub3A = arith.constant 2 : i32
          %sub3A_324 = arith.subi %add3A_112, %sub3A : i32
          %mul3A_325 = arith.constant 10 : i32
          %mul3A_326 = arith.muli %sub3A_324, %mul3A_325 : i32
          %add3A_327 = arith.addi %mul3A_2, %mul3A_326 : i32
          %dma_wait3A_328 = arith.constant 0 : i32
          %dma_wait3A_329 = arith.constant 0 : i32
          %dma_wait3A_330 = tpu.memref_slice %arg5[%add3A_327, %dma_wait3A_328, %dma_wait3A_329] : memref<25600x16x128xf32, #tpu.memory_space<hbm>> -> memref<10x8x128xf32, #tpu.memory_space<hbm>>
          %dma_wait3A_331 = arith.constant 0 : i32
          %dma_wait3A_332 = arith.constant 0 : i32
          %dma_wait3A_333 = tpu.memref_slice %arg5[%add3A_327, %dma_wait3A_331, %dma_wait3A_332] : memref<25600x16x128xf32, #tpu.memory_space<hbm>> -> memref<10x8x128xf32, #tpu.memory_space<hbm>>
          tpu.wait_dma2 semaphore(%arg25 : memref<!tpu.dma_semaphore, #tpu.memory_space<semaphore_mem>>) src(%arg9 : memref<10x8x128xf32, #tpu.memory_space<vmem>>) dst(%dma_wait3A_333 : memref<10x8x128xf32, #tpu.memory_space<hbm>>)
          %sub3A_334 = arith.constant 2 : i32
          %sub3A_335 = arith.subi %add3A_112, %sub3A_334 : i32
          %mul3A_336 = arith.constant 10 : i32
          %mul3A_337 = arith.muli %sub3A_335, %mul3A_336 : i32
          %add3A_338 = arith.addi %mul3A_2, %mul3A_337 : i32
          %dma_wait3A_339 = tpu.memref_reshape %arg13 : memref<80x128xf32, #tpu.memory_space<vmem>> -> memref<10x8x128xf32, #tpu.memory_space<vmem>>
          %dma_wait3A_340 = arith.constant 8 : i32
          %dma_wait3A_341 = arith.constant 0 : i32
          %dma_wait3A_342 = tpu.memref_slice %arg5[%add3A_338, %dma_wait3A_340, %dma_wait3A_341] : memref<25600x16x128xf32, #tpu.memory_space<hbm>> -> memref<10x8x128xf32, #tpu.memory_space<hbm>>
          %dma_wait3A_343 = arith.constant 8 : i32
          %dma_wait3A_344 = arith.constant 0 : i32
          %dma_wait3A_345 = tpu.memref_slice %arg5[%add3A_338, %dma_wait3A_343, %dma_wait3A_344] : memref<25600x16x128xf32, #tpu.memory_space<hbm>> -> memref<10x8x128xf32, #tpu.memory_space<hbm>>
          %dma_wait3A_346 = tpu.memref_reshape %arg13 : memref<80x128xf32, #tpu.memory_space<vmem>> -> memref<10x8x128xf32, #tpu.memory_space<vmem>>
          tpu.wait_dma2 semaphore(%arg29 : memref<!tpu.dma_semaphore, #tpu.memory_space<semaphore_mem>>) src(%dma_wait3A_346 : memref<10x8x128xf32, #tpu.memory_space<vmem>>) dst(%dma_wait3A_345 : memref<10x8x128xf32, #tpu.memory_space<hbm>>)
        } else {
        }
        %add3A_303 = arith.constant 2 : i32
        %add3A_304 = arith.addi %add3A_112, %add3A_303 : i32
        %mul3A_305 = arith.constant 10 : i32
        %mul3A_306 = arith.muli %add3A_304, %mul3A_305 : i32
        %add3A_307 = arith.addi %mul3A_2, %mul3A_306 : i32
        %dma_start3A_308 = arith.constant 0 : i32
        %dma_start3A_309 = arith.constant 0 : i32
        %dma_start3A_310 = tpu.memref_slice %arg2[%add3A_307, %dma_start3A_308, %dma_start3A_309] : memref<25600x8x128xf32, #tpu.memory_space<hbm>> -> memref<10x8x128xf32, #tpu.memory_space<hbm>>
        %dma_start3A_311 = arith.constant 0 : i32
        %dma_start3A_312 = arith.constant 0 : i32
        %dma_start3A_313 = tpu.memref_slice %arg2[%add3A_307, %dma_start3A_311, %dma_start3A_312] : memref<25600x8x128xf32, #tpu.memory_space<hbm>> -> memref<10x8x128xf32, #tpu.memory_space<hbm>>
        tpu.enqueue_dma source(%dma_start3A_313 : memref<10x8x128xf32, #tpu.memory_space<hbm>>) target(%arg9 : memref<10x8x128xf32, #tpu.memory_space<vmem>>) target_semaphore(%arg17 : memref<!tpu.dma_semaphore, #tpu.memory_space<semaphore_mem>>)
        %add3A_314 = arith.constant 2 : i32
        %add3A_315 = arith.addi %add3A_112, %add3A_314 : i32
        %mul3A_316 = arith.constant 10 : i32
        %mul3A_317 = arith.muli %add3A_315, %mul3A_316 : i32
        %mul3A_318 = arith.constant 8 : i32
        %mul3A_319 = arith.muli %mul3A_317, %mul3A_318 : i32
        %dma_start3A_320 = tpu.memref_slice %arg6[%mul3A_319] : memref<6400xi32, #tpu.memory_space<vmem>> -> memref<80xi32, #tpu.memory_space<vmem>>
        %dma_start3A_321 = arith.constant 0 : i32
        %dma_start3A_322 = arith.constant 0 : i32
        %dma_start3A_323 = tpu.memref_slice %arg4[%dma_start3A_321, %dma_start3A_322] : memref<100000x128xf32, #tpu.memory_space<hbm>> -> memref<100000x128xf32, #tpu.memory_space<hbm>>
        tpu.enqueue_indirect_dma source(%dma_start3A_323 : memref<100000x128xf32, #tpu.memory_space<hbm>>) target(%arg13 : memref<80x128xf32, #tpu.memory_space<vmem>>) offsets(%dma_start3A_320 : memref<80xi32, #tpu.memory_space<vmem>>) semaphore(%arg21 : memref<!tpu.dma_semaphore, #tpu.memory_space<semaphore_mem>>)
      } else {
      }
      %mul3A_117 = arith.constant 10 : i32
      %mul3A_118 = arith.muli %add3A_112, %mul3A_117 : i32
      %add3A_119 = arith.addi %mul3A_2, %mul3A_118 : i32
      %dma_wait3A_120 = arith.constant 0 : i32
      %dma_wait3A_121 = arith.constant 0 : i32
      %dma_wait3A_122 = tpu.memref_slice %arg2[%add3A_119, %dma_wait3A_120, %dma_wait3A_121] : memref<25600x8x128xf32, #tpu.memory_space<hbm>> -> memref<10x8x128xf32, #tpu.memory_space<hbm>>
      %dma_wait3A_123 = arith.constant 0 : i32
      %dma_wait3A_124 = arith.constant 0 : i32
      %dma_wait3A_125 = tpu.memref_slice %arg2[%add3A_119, %dma_wait3A_123, %dma_wait3A_124] : memref<25600x8x128xf32, #tpu.memory_space<hbm>> -> memref<10x8x128xf32, #tpu.memory_space<hbm>>
      tpu.wait_dma2 semaphore(%arg15 : memref<!tpu.dma_semaphore, #tpu.memory_space<semaphore_mem>>) src(%dma_wait3A_125 : memref<10x8x128xf32, #tpu.memory_space<hbm>>) dst(%arg7 : memref<10x8x128xf32, #tpu.memory_space<vmem>>)
      %mul3A_126 = arith.constant 10 : i32
      %mul3A_127 = arith.muli %add3A_112, %mul3A_126 : i32
      %mul3A_128 = arith.constant 8 : i32
      %mul3A_129 = arith.muli %mul3A_127, %mul3A_128 : i32
      %dma_wait3A_130 = tpu.memref_slice %arg6[%mul3A_129] : memref<6400xi32, #tpu.memory_space<vmem>> -> memref<80xi32, #tpu.memory_space<vmem>>
      %dma_wait3A_131 = arith.constant 0 : i32
      %dma_wait3A_132 = arith.constant 0 : i32
      %dma_wait3A_133 = tpu.memref_slice %arg4[%dma_wait3A_131, %dma_wait3A_132] : memref<100000x128xf32, #tpu.memory_space<hbm>> -> memref<100000x128xf32, #tpu.memory_space<hbm>>
      tpu.wait_indirect_dma semaphore(%arg19 : memref<!tpu.dma_semaphore, #tpu.memory_space<semaphore_mem>>) src(%dma_wait3A_133 : memref<100000x128xf32, #tpu.memory_space<hbm>>) dst(%arg11 : memref<80x128xf32, #tpu.memory_space<vmem>>)
      %mul3A_134 = arith.constant 10 : i32
      %mul3A_135 = arith.muli %add3A_112, %mul3A_134 : i32
      %add3A_136 = arith.addi %mul3A_2, %mul3A_135 : i32
      %dma_start3A_137 = arith.constant 0 : i32
      %dma_start3A_138 = arith.constant 0 : i32
      %dma_start3A_139 = tpu.memref_slice %arg5[%add3A_136, %dma_start3A_137, %dma_start3A_138] : memref<25600x16x128xf32, #tpu.memory_space<hbm>> -> memref<10x8x128xf32, #tpu.memory_space<hbm>>
      %dma_start3A_140 = arith.constant 0 : i32
      %dma_start3A_141 = arith.constant 0 : i32
      %dma_start3A_142 = tpu.memref_slice %arg5[%add3A_136, %dma_start3A_140, %dma_start3A_141] : memref<25600x16x128xf32, #tpu.memory_space<hbm>> -> memref<10x8x128xf32, #tpu.memory_space<hbm>>
      tpu.enqueue_dma source(%arg7 : memref<10x8x128xf32, #tpu.memory_space<vmem>>) target(%dma_start3A_142 : memref<10x8x128xf32, #tpu.memory_space<hbm>>) target_semaphore(%arg23 : memref<!tpu.dma_semaphore, #tpu.memory_space<semaphore_mem>>)
      %mul3A_143 = arith.constant 10 : i32
      %mul3A_144 = arith.muli %add3A_112, %mul3A_143 : i32
      %add3A_145 = arith.addi %mul3A_2, %mul3A_144 : i32
      %dma_start3A_146 = tpu.memref_reshape %arg11 : memref<80x128xf32, #tpu.memory_space<vmem>> -> memref<10x8x128xf32, #tpu.memory_space<vmem>>
      %dma_start3A_147 = arith.constant 8 : i32
      %dma_start3A_148 = arith.constant 0 : i32
      %dma_start3A_149 = tpu.memref_slice %arg5[%add3A_145, %dma_start3A_147, %dma_start3A_148] : memref<25600x16x128xf32, #tpu.memory_space<hbm>> -> memref<10x8x128xf32, #tpu.memory_space<hbm>>
      %dma_start3A_150 = arith.constant 8 : i32
      %dma_start3A_151 = arith.constant 0 : i32
      %dma_start3A_152 = tpu.memref_slice %arg5[%add3A_145, %dma_start3A_150, %dma_start3A_151] : memref<25600x16x128xf32, #tpu.memory_space<hbm>> -> memref<10x8x128xf32, #tpu.memory_space<hbm>>
      %dma_start3A_153 = tpu.memref_reshape %arg11 : memref<80x128xf32, #tpu.memory_space<vmem>> -> memref<10x8x128xf32, #tpu.memory_space<vmem>>
      tpu.enqueue_dma source(%dma_start3A_153 : memref<10x8x128xf32, #tpu.memory_space<vmem>>) target(%dma_start3A_152 : memref<10x8x128xf32, #tpu.memory_space<hbm>>) target_semaphore(%arg27 : memref<!tpu.dma_semaphore, #tpu.memory_space<semaphore_mem>>)
      %mul3A_154 = arith.constant 4 : i32
      %mul3A_155 = arith.muli %scan3A_107, %mul3A_154 : i32
      %add3A_156 = arith.constant 1 : i32
      %add3A_157 = arith.addi %mul3A_155, %add3A_156 : i32
      %add3A_158 = arith.constant 2 : i32
      %add3A_159 = arith.addi %add3A_157, %add3A_158 : i32
      %lt3A_160 = arith.constant 80 : i32
      %lt3A_161 = arith.cmpi slt, %add3A_159, %lt3A_160 : i32
      %convert_element_type3A_162 = arith.extui %lt3A_161 : i1 to i32
      %cond3A_163 = arith.constant 0 : i32
      %cond3A_164 = arith.cmpi ne, %convert_element_type3A_162, %cond3A_163 : i32
      scf.if %cond3A_164 {
        %ge3A = arith.constant 2 : i32
        %ge3A_299 = arith.cmpi sge, %add3A_157, %ge3A : i32
        %convert_element_type3A_300 = arith.extui %ge3A_299 : i1 to i32
        %cond3A_301 = arith.constant 0 : i32
        %cond3A_302 = arith.cmpi ne, %convert_element_type3A_300, %cond3A_301 : i32
        scf.if %cond3A_302 {
          %sub3A = arith.constant 2 : i32
          %sub3A_324 = arith.subi %add3A_157, %sub3A : i32
          %mul3A_325 = arith.constant 10 : i32
          %mul3A_326 = arith.muli %sub3A_324, %mul3A_325 : i32
          %add3A_327 = arith.addi %mul3A_2, %mul3A_326 : i32
          %dma_wait3A_328 = arith.constant 0 : i32
          %dma_wait3A_329 = arith.constant 0 : i32
          %dma_wait3A_330 = tpu.memref_slice %arg5[%add3A_327, %dma_wait3A_328, %dma_wait3A_329] : memref<25600x16x128xf32, #tpu.memory_space<hbm>> -> memref<10x8x128xf32, #tpu.memory_space<hbm>>
          %dma_wait3A_331 = arith.constant 0 : i32
          %dma_wait3A_332 = arith.constant 0 : i32
          %dma_wait3A_333 = tpu.memref_slice %arg5[%add3A_327, %dma_wait3A_331, %dma_wait3A_332] : memref<25600x16x128xf32, #tpu.memory_space<hbm>> -> memref<10x8x128xf32, #tpu.memory_space<hbm>>
          tpu.wait_dma2 semaphore(%arg26 : memref<!tpu.dma_semaphore, #tpu.memory_space<semaphore_mem>>) src(%arg10 : memref<10x8x128xf32, #tpu.memory_space<vmem>>) dst(%dma_wait3A_333 : memref<10x8x128xf32, #tpu.memory_space<hbm>>)
          %sub3A_334 = arith.constant 2 : i32
          %sub3A_335 = arith.subi %add3A_157, %sub3A_334 : i32
          %mul3A_336 = arith.constant 10 : i32
          %mul3A_337 = arith.muli %sub3A_335, %mul3A_336 : i32
          %add3A_338 = arith.addi %mul3A_2, %mul3A_337 : i32
          %dma_wait3A_339 = tpu.memref_reshape %arg14 : memref<80x128xf32, #tpu.memory_space<vmem>> -> memref<10x8x128xf32, #tpu.memory_space<vmem>>
          %dma_wait3A_340 = arith.constant 8 : i32
          %dma_wait3A_341 = arith.constant 0 : i32
          %dma_wait3A_342 = tpu.memref_slice %arg5[%add3A_338, %dma_wait3A_340, %dma_wait3A_341] : memref<25600x16x128xf32, #tpu.memory_space<hbm>> -> memref<10x8x128xf32, #tpu.memory_space<hbm>>
          %dma_wait3A_343 = arith.constant 8 : i32
          %dma_wait3A_344 = arith.constant 0 : i32
          %dma_wait3A_345 = tpu.memref_slice %arg5[%add3A_338, %dma_wait3A_343, %dma_wait3A_344] : memref<25600x16x128xf32, #tpu.memory_space<hbm>> -> memref<10x8x128xf32, #tpu.memory_space<hbm>>
          %dma_wait3A_346 = tpu.memref_reshape %arg14 : memref<80x128xf32, #tpu.memory_space<vmem>> -> memref<10x8x128xf32, #tpu.memory_space<vmem>>
          tpu.wait_dma2 semaphore(%arg30 : memref<!tpu.dma_semaphore, #tpu.memory_space<semaphore_mem>>) src(%dma_wait3A_346 : memref<10x8x128xf32, #tpu.memory_space<vmem>>) dst(%dma_wait3A_345 : memref<10x8x128xf32, #tpu.memory_space<hbm>>)
        } else {
        }
        %add3A_303 = arith.constant 2 : i32
        %add3A_304 = arith.addi %add3A_157, %add3A_303 : i32
        %mul3A_305 = arith.constant 10 : i32
        %mul3A_306 = arith.muli %add3A_304, %mul3A_305 : i32
        %add3A_307 = arith.addi %mul3A_2, %mul3A_306 : i32
        %dma_start3A_308 = arith.constant 0 : i32
        %dma_start3A_309 = arith.constant 0 : i32
        %dma_start3A_310 = tpu.memref_slice %arg2[%add3A_307, %dma_start3A_308, %dma_start3A_309] : memref<25600x8x128xf32, #tpu.memory_space<hbm>> -> memref<10x8x128xf32, #tpu.memory_space<hbm>>
        %dma_start3A_311 = arith.constant 0 : i32
        %dma_start3A_312 = arith.constant 0 : i32
        %dma_start3A_313 = tpu.memref_slice %arg2[%add3A_307, %dma_start3A_311, %dma_start3A_312] : memref<25600x8x128xf32, #tpu.memory_space<hbm>> -> memref<10x8x128xf32, #tpu.memory_space<hbm>>
        tpu.enqueue_dma source(%dma_start3A_313 : memref<10x8x128xf32, #tpu.memory_space<hbm>>) target(%arg10 : memref<10x8x128xf32, #tpu.memory_space<vmem>>) target_semaphore(%arg18 : memref<!tpu.dma_semaphore, #tpu.memory_space<semaphore_mem>>)
        %add3A_314 = arith.constant 2 : i32
        %add3A_315 = arith.addi %add3A_157, %add3A_314 : i32
        %mul3A_316 = arith.constant 10 : i32
        %mul3A_317 = arith.muli %add3A_315, %mul3A_316 : i32
        %mul3A_318 = arith.constant 8 : i32
        %mul3A_319 = arith.muli %mul3A_317, %mul3A_318 : i32
        %dma_start3A_320 = tpu.memref_slice %arg6[%mul3A_319] : memref<6400xi32, #tpu.memory_space<vmem>> -> memref<80xi32, #tpu.memory_space<vmem>>
        %dma_start3A_321 = arith.constant 0 : i32
        %dma_start3A_322 = arith.constant 0 : i32
        %dma_start3A_323 = tpu.memref_slice %arg4[%dma_start3A_321, %dma_start3A_322] : memref<100000x128xf32, #tpu.memory_space<hbm>> -> memref<100000x128xf32, #tpu.memory_space<hbm>>
        tpu.enqueue_indirect_dma source(%dma_start3A_323 : memref<100000x128xf32, #tpu.memory_space<hbm>>) target(%arg14 : memref<80x128xf32, #tpu.memory_space<vmem>>) offsets(%dma_start3A_320 : memref<80xi32, #tpu.memory_space<vmem>>) semaphore(%arg22 : memref<!tpu.dma_semaphore, #tpu.memory_space<semaphore_mem>>)
      } else {
      }
      %mul3A_165 = arith.constant 10 : i32
      %mul3A_166 = arith.muli %add3A_157, %mul3A_165 : i32
      %add3A_167 = arith.addi %mul3A_2, %mul3A_166 : i32
      %dma_wait3A_168 = arith.constant 0 : i32
      %dma_wait3A_169 = arith.constant 0 : i32
      %dma_wait3A_170 = tpu.memref_slice %arg2[%add3A_167, %dma_wait3A_168, %dma_wait3A_169] : memref<25600x8x128xf32, #tpu.memory_space<hbm>> -> memref<10x8x128xf32, #tpu.memory_space<hbm>>
      %dma_wait3A_171 = arith.constant 0 : i32
      %dma_wait3A_172 = arith.constant 0 : i32
      %dma_wait3A_173 = tpu.memref_slice %arg2[%add3A_167, %dma_wait3A_171, %dma_wait3A_172] : memref<25600x8x128xf32, #tpu.memory_space<hbm>> -> memref<10x8x128xf32, #tpu.memory_space<hbm>>
      tpu.wait_dma2 semaphore(%arg16 : memref<!tpu.dma_semaphore, #tpu.memory_space<semaphore_mem>>) src(%dma_wait3A_173 : memref<10x8x128xf32, #tpu.memory_space<hbm>>) dst(%arg8 : memref<10x8x128xf32, #tpu.memory_space<vmem>>)
      %mul3A_174 = arith.constant 10 : i32
      %mul3A_175 = arith.muli %add3A_157, %mul3A_174 : i32
      %mul3A_176 = arith.constant 8 : i32
      %mul3A_177 = arith.muli %mul3A_175, %mul3A_176 : i32
      %dma_wait3A_178 = tpu.memref_slice %arg6[%mul3A_177] : memref<6400xi32, #tpu.memory_space<vmem>> -> memref<80xi32, #tpu.memory_space<vmem>>
      %dma_wait3A_179 = arith.constant 0 : i32
      %dma_wait3A_180 = arith.constant 0 : i32
      %dma_wait3A_181 = tpu.memref_slice %arg4[%dma_wait3A_179, %dma_wait3A_180] : memref<100000x128xf32, #tpu.memory_space<hbm>> -> memref<100000x128xf32, #tpu.memory_space<hbm>>
      tpu.wait_indirect_dma semaphore(%arg20 : memref<!tpu.dma_semaphore, #tpu.memory_space<semaphore_mem>>) src(%dma_wait3A_181 : memref<100000x128xf32, #tpu.memory_space<hbm>>) dst(%arg12 : memref<80x128xf32, #tpu.memory_space<vmem>>)
      %mul3A_182 = arith.constant 10 : i32
      %mul3A_183 = arith.muli %add3A_157, %mul3A_182 : i32
      %add3A_184 = arith.addi %mul3A_2, %mul3A_183 : i32
      %dma_start3A_185 = arith.constant 0 : i32
      %dma_start3A_186 = arith.constant 0 : i32
      %dma_start3A_187 = tpu.memref_slice %arg5[%add3A_184, %dma_start3A_185, %dma_start3A_186] : memref<25600x16x128xf32, #tpu.memory_space<hbm>> -> memref<10x8x128xf32, #tpu.memory_space<hbm>>
      %dma_start3A_188 = arith.constant 0 : i32
      %dma_start3A_189 = arith.constant 0 : i32
      %dma_start3A_190 = tpu.memref_slice %arg5[%add3A_184, %dma_start3A_188, %dma_start3A_189] : memref<25600x16x128xf32, #tpu.memory_space<hbm>> -> memref<10x8x128xf32, #tpu.memory_space<hbm>>
      tpu.enqueue_dma source(%arg8 : memref<10x8x128xf32, #tpu.memory_space<vmem>>) target(%dma_start3A_190 : memref<10x8x128xf32, #tpu.memory_space<hbm>>) target_semaphore(%arg24 : memref<!tpu.dma_semaphore, #tpu.memory_space<semaphore_mem>>)
      %mul3A_191 = arith.constant 10 : i32
      %mul3A_192 = arith.muli %add3A_157, %mul3A_191 : i32
      %add3A_193 = arith.addi %mul3A_2, %mul3A_192 : i32
      %dma_start3A_194 = tpu.memref_reshape %arg12 : memref<80x128xf32, #tpu.memory_space<vmem>> -> memref<10x8x128xf32, #tpu.memory_space<vmem>>
      %dma_start3A_195 = arith.constant 8 : i32
      %dma_start3A_196 = arith.constant 0 : i32
      %dma_start3A_197 = tpu.memref_slice %arg5[%add3A_193, %dma_start3A_195, %dma_start3A_196] : memref<25600x16x128xf32, #tpu.memory_space<hbm>> -> memref<10x8x128xf32, #tpu.memory_space<hbm>>
      %dma_start3A_198 = arith.constant 8 : i32
      %dma_start3A_199 = arith.constant 0 : i32
      %dma_start3A_200 = tpu.memref_slice %arg5[%add3A_193, %dma_start3A_198, %dma_start3A_199] : memref<25600x16x128xf32, #tpu.memory_space<hbm>> -> memref<10x8x128xf32, #tpu.memory_space<hbm>>
      %dma_start3A_201 = tpu.memref_reshape %arg12 : memref<80x128xf32, #tpu.memory_space<vmem>> -> memref<10x8x128xf32, #tpu.memory_space<vmem>>
      tpu.enqueue_dma source(%dma_start3A_201 : memref<10x8x128xf32, #tpu.memory_space<vmem>>) target(%dma_start3A_200 : memref<10x8x128xf32, #tpu.memory_space<hbm>>) target_semaphore(%arg28 : memref<!tpu.dma_semaphore, #tpu.memory_space<semaphore_mem>>)
      %mul3A_202 = arith.constant 4 : i32
      %mul3A_203 = arith.muli %scan3A_107, %mul3A_202 : i32
      %add3A_204 = arith.constant 2 : i32
      %add3A_205 = arith.addi %mul3A_203, %add3A_204 : i32
      %add3A_206 = arith.constant 2 : i32
      %add3A_207 = arith.addi %add3A_205, %add3A_206 : i32
      %lt3A_208 = arith.constant 80 : i32
      %lt3A_209 = arith.cmpi slt, %add3A_207, %lt3A_208 : i32
      %convert_element_type3A_210 = arith.extui %lt3A_209 : i1 to i32
      %cond3A_211 = arith.constant 0 : i32
      %cond3A_212 = arith.cmpi ne, %convert_element_type3A_210, %cond3A_211 : i32
      scf.if %cond3A_212 {
        %ge3A = arith.constant 2 : i32
        %ge3A_299 = arith.cmpi sge, %add3A_205, %ge3A : i32
        %convert_element_type3A_300 = arith.extui %ge3A_299 : i1 to i32
        %cond3A_301 = arith.constant 0 : i32
        %cond3A_302 = arith.cmpi ne, %convert_element_type3A_300, %cond3A_301 : i32
        scf.if %cond3A_302 {
          %sub3A = arith.constant 2 : i32
          %sub3A_324 = arith.subi %add3A_205, %sub3A : i32
          %mul3A_325 = arith.constant 10 : i32
          %mul3A_326 = arith.muli %sub3A_324, %mul3A_325 : i32
          %add3A_327 = arith.addi %mul3A_2, %mul3A_326 : i32
          %dma_wait3A_328 = arith.constant 0 : i32
          %dma_wait3A_329 = arith.constant 0 : i32
          %dma_wait3A_330 = tpu.memref_slice %arg5[%add3A_327, %dma_wait3A_328, %dma_wait3A_329] : memref<25600x16x128xf32, #tpu.memory_space<hbm>> -> memref<10x8x128xf32, #tpu.memory_space<hbm>>
          %dma_wait3A_331 = arith.constant 0 : i32
          %dma_wait3A_332 = arith.constant 0 : i32
          %dma_wait3A_333 = tpu.memref_slice %arg5[%add3A_327, %dma_wait3A_331, %dma_wait3A_332] : memref<25600x16x128xf32, #tpu.memory_space<hbm>> -> memref<10x8x128xf32, #tpu.memory_space<hbm>>
          tpu.wait_dma2 semaphore(%arg23 : memref<!tpu.dma_semaphore, #tpu.memory_space<semaphore_mem>>) src(%arg7 : memref<10x8x128xf32, #tpu.memory_space<vmem>>) dst(%dma_wait3A_333 : memref<10x8x128xf32, #tpu.memory_space<hbm>>)
          %sub3A_334 = arith.constant 2 : i32
          %sub3A_335 = arith.subi %add3A_205, %sub3A_334 : i32
          %mul3A_336 = arith.constant 10 : i32
          %mul3A_337 = arith.muli %sub3A_335, %mul3A_336 : i32
          %add3A_338 = arith.addi %mul3A_2, %mul3A_337 : i32
          %dma_wait3A_339 = tpu.memref_reshape %arg11 : memref<80x128xf32, #tpu.memory_space<vmem>> -> memref<10x8x128xf32, #tpu.memory_space<vmem>>
          %dma_wait3A_340 = arith.constant 8 : i32
          %dma_wait3A_341 = arith.constant 0 : i32
          %dma_wait3A_342 = tpu.memref_slice %arg5[%add3A_338, %dma_wait3A_340, %dma_wait3A_341] : memref<25600x16x128xf32, #tpu.memory_space<hbm>> -> memref<10x8x128xf32, #tpu.memory_space<hbm>>
          %dma_wait3A_343 = arith.constant 8 : i32
          %dma_wait3A_344 = arith.constant 0 : i32
          %dma_wait3A_345 = tpu.memref_slice %arg5[%add3A_338, %dma_wait3A_343, %dma_wait3A_344] : memref<25600x16x128xf32, #tpu.memory_space<hbm>> -> memref<10x8x128xf32, #tpu.memory_space<hbm>>
          %dma_wait3A_346 = tpu.memref_reshape %arg11 : memref<80x128xf32, #tpu.memory_space<vmem>> -> memref<10x8x128xf32, #tpu.memory_space<vmem>>
          tpu.wait_dma2 semaphore(%arg27 : memref<!tpu.dma_semaphore, #tpu.memory_space<semaphore_mem>>) src(%dma_wait3A_346 : memref<10x8x128xf32, #tpu.memory_space<vmem>>) dst(%dma_wait3A_345 : memref<10x8x128xf32, #tpu.memory_space<hbm>>)
        } else {
        }
        %add3A_303 = arith.constant 2 : i32
        %add3A_304 = arith.addi %add3A_205, %add3A_303 : i32
        %mul3A_305 = arith.constant 10 : i32
        %mul3A_306 = arith.muli %add3A_304, %mul3A_305 : i32
        %add3A_307 = arith.addi %mul3A_2, %mul3A_306 : i32
        %dma_start3A_308 = arith.constant 0 : i32
        %dma_start3A_309 = arith.constant 0 : i32
        %dma_start3A_310 = tpu.memref_slice %arg2[%add3A_307, %dma_start3A_308, %dma_start3A_309] : memref<25600x8x128xf32, #tpu.memory_space<hbm>> -> memref<10x8x128xf32, #tpu.memory_space<hbm>>
        %dma_start3A_311 = arith.constant 0 : i32
        %dma_start3A_312 = arith.constant 0 : i32
        %dma_start3A_313 = tpu.memref_slice %arg2[%add3A_307, %dma_start3A_311, %dma_start3A_312] : memref<25600x8x128xf32, #tpu.memory_space<hbm>> -> memref<10x8x128xf32, #tpu.memory_space<hbm>>
        tpu.enqueue_dma source(%dma_start3A_313 : memref<10x8x128xf32, #tpu.memory_space<hbm>>) target(%arg7 : memref<10x8x128xf32, #tpu.memory_space<vmem>>) target_semaphore(%arg15 : memref<!tpu.dma_semaphore, #tpu.memory_space<semaphore_mem>>)
        %add3A_314 = arith.constant 2 : i32
        %add3A_315 = arith.addi %add3A_205, %add3A_314 : i32
        %mul3A_316 = arith.constant 10 : i32
        %mul3A_317 = arith.muli %add3A_315, %mul3A_316 : i32
        %mul3A_318 = arith.constant 8 : i32
        %mul3A_319 = arith.muli %mul3A_317, %mul3A_318 : i32
        %dma_start3A_320 = tpu.memref_slice %arg6[%mul3A_319] : memref<6400xi32, #tpu.memory_space<vmem>> -> memref<80xi32, #tpu.memory_space<vmem>>
        %dma_start3A_321 = arith.constant 0 : i32
        %dma_start3A_322 = arith.constant 0 : i32
        %dma_start3A_323 = tpu.memref_slice %arg4[%dma_start3A_321, %dma_start3A_322] : memref<100000x128xf32, #tpu.memory_space<hbm>> -> memref<100000x128xf32, #tpu.memory_space<hbm>>
        tpu.enqueue_indirect_dma source(%dma_start3A_323 : memref<100000x128xf32, #tpu.memory_space<hbm>>) target(%arg11 : memref<80x128xf32, #tpu.memory_space<vmem>>) offsets(%dma_start3A_320 : memref<80xi32, #tpu.memory_space<vmem>>) semaphore(%arg19 : memref<!tpu.dma_semaphore, #tpu.memory_space<semaphore_mem>>)
      } else {
      }
      %mul3A_213 = arith.constant 10 : i32
      %mul3A_214 = arith.muli %add3A_205, %mul3A_213 : i32
      %add3A_215 = arith.addi %mul3A_2, %mul3A_214 : i32
      %dma_wait3A_216 = arith.constant 0 : i32
      %dma_wait3A_217 = arith.constant 0 : i32
      %dma_wait3A_218 = tpu.memref_slice %arg2[%add3A_215, %dma_wait3A_216, %dma_wait3A_217] : memref<25600x8x128xf32, #tpu.memory_space<hbm>> -> memref<10x8x128xf32, #tpu.memory_space<hbm>>
      %dma_wait3A_219 = arith.constant 0 : i32
      %dma_wait3A_220 = arith.constant 0 : i32
      %dma_wait3A_221 = tpu.memref_slice %arg2[%add3A_215, %dma_wait3A_219, %dma_wait3A_220] : memref<25600x8x128xf32, #tpu.memory_space<hbm>> -> memref<10x8x128xf32, #tpu.memory_space<hbm>>
      tpu.wait_dma2 semaphore(%arg17 : memref<!tpu.dma_semaphore, #tpu.memory_space<semaphore_mem>>) src(%dma_wait3A_221 : memref<10x8x128xf32, #tpu.memory_space<hbm>>) dst(%arg9 : memref<10x8x128xf32, #tpu.memory_space<vmem>>)
      %mul3A_222 = arith.constant 10 : i32
      %mul3A_223 = arith.muli %add3A_205, %mul3A_222 : i32
      %mul3A_224 = arith.constant 8 : i32
      %mul3A_225 = arith.muli %mul3A_223, %mul3A_224 : i32
      %dma_wait3A_226 = tpu.memref_slice %arg6[%mul3A_225] : memref<6400xi32, #tpu.memory_space<vmem>> -> memref<80xi32, #tpu.memory_space<vmem>>
      %dma_wait3A_227 = arith.constant 0 : i32
      %dma_wait3A_228 = arith.constant 0 : i32
      %dma_wait3A_229 = tpu.memref_slice %arg4[%dma_wait3A_227, %dma_wait3A_228] : memref<100000x128xf32, #tpu.memory_space<hbm>> -> memref<100000x128xf32, #tpu.memory_space<hbm>>
      tpu.wait_indirect_dma semaphore(%arg21 : memref<!tpu.dma_semaphore, #tpu.memory_space<semaphore_mem>>) src(%dma_wait3A_229 : memref<100000x128xf32, #tpu.memory_space<hbm>>) dst(%arg13 : memref<80x128xf32, #tpu.memory_space<vmem>>)
      %mul3A_230 = arith.constant 10 : i32
      %mul3A_231 = arith.muli %add3A_205, %mul3A_230 : i32
      %add3A_232 = arith.addi %mul3A_2, %mul3A_231 : i32
      %dma_start3A_233 = arith.constant 0 : i32
      %dma_start3A_234 = arith.constant 0 : i32
      %dma_start3A_235 = tpu.memref_slice %arg5[%add3A_232, %dma_start3A_233, %dma_start3A_234] : memref<25600x16x128xf32, #tpu.memory_space<hbm>> -> memref<10x8x128xf32, #tpu.memory_space<hbm>>
      %dma_start3A_236 = arith.constant 0 : i32
      %dma_start3A_237 = arith.constant 0 : i32
      %dma_start3A_238 = tpu.memref_slice %arg5[%add3A_232, %dma_start3A_236, %dma_start3A_237] : memref<25600x16x128xf32, #tpu.memory_space<hbm>> -> memref<10x8x128xf32, #tpu.memory_space<hbm>>
      tpu.enqueue_dma source(%arg9 : memref<10x8x128xf32, #tpu.memory_space<vmem>>) target(%dma_start3A_238 : memref<10x8x128xf32, #tpu.memory_space<hbm>>) target_semaphore(%arg25 : memref<!tpu.dma_semaphore, #tpu.memory_space<semaphore_mem>>)
      %mul3A_239 = arith.constant 10 : i32
      %mul3A_240 = arith.muli %add3A_205, %mul3A_239 : i32
      %add3A_241 = arith.addi %mul3A_2, %mul3A_240 : i32
      %dma_start3A_242 = tpu.memref_reshape %arg13 : memref<80x128xf32, #tpu.memory_space<vmem>> -> memref<10x8x128xf32, #tpu.memory_space<vmem>>
      %dma_start3A_243 = arith.constant 8 : i32
      %dma_start3A_244 = arith.constant 0 : i32
      %dma_start3A_245 = tpu.memref_slice %arg5[%add3A_241, %dma_start3A_243, %dma_start3A_244] : memref<25600x16x128xf32, #tpu.memory_space<hbm>> -> memref<10x8x128xf32, #tpu.memory_space<hbm>>
      %dma_start3A_246 = arith.constant 8 : i32
      %dma_start3A_247 = arith.constant 0 : i32
      %dma_start3A_248 = tpu.memref_slice %arg5[%add3A_241, %dma_start3A_246, %dma_start3A_247] : memref<25600x16x128xf32, #tpu.memory_space<hbm>> -> memref<10x8x128xf32, #tpu.memory_space<hbm>>
      %dma_start3A_249 = tpu.memref_reshape %arg13 : memref<80x128xf32, #tpu.memory_space<vmem>> -> memref<10x8x128xf32, #tpu.memory_space<vmem>>
      tpu.enqueue_dma source(%dma_start3A_249 : memref<10x8x128xf32, #tpu.memory_space<vmem>>) target(%dma_start3A_248 : memref<10x8x128xf32, #tpu.memory_space<hbm>>) target_semaphore(%arg29 : memref<!tpu.dma_semaphore, #tpu.memory_space<semaphore_mem>>)
      %mul3A_250 = arith.constant 4 : i32
      %mul3A_251 = arith.muli %scan3A_107, %mul3A_250 : i32
      %add3A_252 = arith.constant 3 : i32
      %add3A_253 = arith.addi %mul3A_251, %add3A_252 : i32
      %add3A_254 = arith.constant 2 : i32
      %add3A_255 = arith.addi %add3A_253, %add3A_254 : i32
      %lt3A_256 = arith.constant 80 : i32
      %lt3A_257 = arith.cmpi slt, %add3A_255, %lt3A_256 : i32
      %convert_element_type3A_258 = arith.extui %lt3A_257 : i1 to i32
      %cond3A_259 = arith.constant 0 : i32
      %cond3A_260 = arith.cmpi ne, %convert_element_type3A_258, %cond3A_259 : i32
      scf.if %cond3A_260 {
        %ge3A = arith.constant 2 : i32
        %ge3A_299 = arith.cmpi sge, %add3A_253, %ge3A : i32
        %convert_element_type3A_300 = arith.extui %ge3A_299 : i1 to i32
        %cond3A_301 = arith.constant 0 : i32
        %cond3A_302 = arith.cmpi ne, %convert_element_type3A_300, %cond3A_301 : i32
        scf.if %cond3A_302 {
          %sub3A = arith.constant 2 : i32
          %sub3A_324 = arith.subi %add3A_253, %sub3A : i32
          %mul3A_325 = arith.constant 10 : i32
          %mul3A_326 = arith.muli %sub3A_324, %mul3A_325 : i32
          %add3A_327 = arith.addi %mul3A_2, %mul3A_326 : i32
          %dma_wait3A_328 = arith.constant 0 : i32
          %dma_wait3A_329 = arith.constant 0 : i32
          %dma_wait3A_330 = tpu.memref_slice %arg5[%add3A_327, %dma_wait3A_328, %dma_wait3A_329] : memref<25600x16x128xf32, #tpu.memory_space<hbm>> -> memref<10x8x128xf32, #tpu.memory_space<hbm>>
          %dma_wait3A_331 = arith.constant 0 : i32
          %dma_wait3A_332 = arith.constant 0 : i32
          %dma_wait3A_333 = tpu.memref_slice %arg5[%add3A_327, %dma_wait3A_331, %dma_wait3A_332] : memref<25600x16x128xf32, #tpu.memory_space<hbm>> -> memref<10x8x128xf32, #tpu.memory_space<hbm>>
          tpu.wait_dma2 semaphore(%arg24 : memref<!tpu.dma_semaphore, #tpu.memory_space<semaphore_mem>>) src(%arg8 : memref<10x8x128xf32, #tpu.memory_space<vmem>>) dst(%dma_wait3A_333 : memref<10x8x128xf32, #tpu.memory_space<hbm>>)
          %sub3A_334 = arith.constant 2 : i32
          %sub3A_335 = arith.subi %add3A_253, %sub3A_334 : i32
          %mul3A_336 = arith.constant 10 : i32
          %mul3A_337 = arith.muli %sub3A_335, %mul3A_336 : i32
          %add3A_338 = arith.addi %mul3A_2, %mul3A_337 : i32
          %dma_wait3A_339 = tpu.memref_reshape %arg12 : memref<80x128xf32, #tpu.memory_space<vmem>> -> memref<10x8x128xf32, #tpu.memory_space<vmem>>
          %dma_wait3A_340 = arith.constant 8 : i32
          %dma_wait3A_341 = arith.constant 0 : i32
          %dma_wait3A_342 = tpu.memref_slice %arg5[%add3A_338, %dma_wait3A_340, %dma_wait3A_341] : memref<25600x16x128xf32, #tpu.memory_space<hbm>> -> memref<10x8x128xf32, #tpu.memory_space<hbm>>
          %dma_wait3A_343 = arith.constant 8 : i32
          %dma_wait3A_344 = arith.constant 0 : i32
          %dma_wait3A_345 = tpu.memref_slice %arg5[%add3A_338, %dma_wait3A_343, %dma_wait3A_344] : memref<25600x16x128xf32, #tpu.memory_space<hbm>> -> memref<10x8x128xf32, #tpu.memory_space<hbm>>
          %dma_wait3A_346 = tpu.memref_reshape %arg12 : memref<80x128xf32, #tpu.memory_space<vmem>> -> memref<10x8x128xf32, #tpu.memory_space<vmem>>
          tpu.wait_dma2 semaphore(%arg28 : memref<!tpu.dma_semaphore, #tpu.memory_space<semaphore_mem>>) src(%dma_wait3A_346 : memref<10x8x128xf32, #tpu.memory_space<vmem>>) dst(%dma_wait3A_345 : memref<10x8x128xf32, #tpu.memory_space<hbm>>)
        } else {
        }
        %add3A_303 = arith.constant 2 : i32
        %add3A_304 = arith.addi %add3A_253, %add3A_303 : i32
        %mul3A_305 = arith.constant 10 : i32
        %mul3A_306 = arith.muli %add3A_304, %mul3A_305 : i32
        %add3A_307 = arith.addi %mul3A_2, %mul3A_306 : i32
        %dma_start3A_308 = arith.constant 0 : i32
        %dma_start3A_309 = arith.constant 0 : i32
        %dma_start3A_310 = tpu.memref_slice %arg2[%add3A_307, %dma_start3A_308, %dma_start3A_309] : memref<25600x8x128xf32, #tpu.memory_space<hbm>> -> memref<10x8x128xf32, #tpu.memory_space<hbm>>
        %dma_start3A_311 = arith.constant 0 : i32
        %dma_start3A_312 = arith.constant 0 : i32
        %dma_start3A_313 = tpu.memref_slice %arg2[%add3A_307, %dma_start3A_311, %dma_start3A_312] : memref<25600x8x128xf32, #tpu.memory_space<hbm>> -> memref<10x8x128xf32, #tpu.memory_space<hbm>>
        tpu.enqueue_dma source(%dma_start3A_313 : memref<10x8x128xf32, #tpu.memory_space<hbm>>) target(%arg8 : memref<10x8x128xf32, #tpu.memory_space<vmem>>) target_semaphore(%arg16 : memref<!tpu.dma_semaphore, #tpu.memory_space<semaphore_mem>>)
        %add3A_314 = arith.constant 2 : i32
        %add3A_315 = arith.addi %add3A_253, %add3A_314 : i32
        %mul3A_316 = arith.constant 10 : i32
        %mul3A_317 = arith.muli %add3A_315, %mul3A_316 : i32
        %mul3A_318 = arith.constant 8 : i32
        %mul3A_319 = arith.muli %mul3A_317, %mul3A_318 : i32
        %dma_start3A_320 = tpu.memref_slice %arg6[%mul3A_319] : memref<6400xi32, #tpu.memory_space<vmem>> -> memref<80xi32, #tpu.memory_space<vmem>>
        %dma_start3A_321 = arith.constant 0 : i32
        %dma_start3A_322 = arith.constant 0 : i32
        %dma_start3A_323 = tpu.memref_slice %arg4[%dma_start3A_321, %dma_start3A_322] : memref<100000x128xf32, #tpu.memory_space<hbm>> -> memref<100000x128xf32, #tpu.memory_space<hbm>>
        tpu.enqueue_indirect_dma source(%dma_start3A_323 : memref<100000x128xf32, #tpu.memory_space<hbm>>) target(%arg12 : memref<80x128xf32, #tpu.memory_space<vmem>>) offsets(%dma_start3A_320 : memref<80xi32, #tpu.memory_space<vmem>>) semaphore(%arg20 : memref<!tpu.dma_semaphore, #tpu.memory_space<semaphore_mem>>)
      } else {
      }
      %mul3A_261 = arith.constant 10 : i32
      %mul3A_262 = arith.muli %add3A_253, %mul3A_261 : i32
      %add3A_263 = arith.addi %mul3A_2, %mul3A_262 : i32
      %dma_wait3A_264 = arith.constant 0 : i32
      %dma_wait3A_265 = arith.constant 0 : i32
      %dma_wait3A_266 = tpu.memref_slice %arg2[%add3A_263, %dma_wait3A_264, %dma_wait3A_265] : memref<25600x8x128xf32, #tpu.memory_space<hbm>> -> memref<10x8x128xf32, #tpu.memory_space<hbm>>
      %dma_wait3A_267 = arith.constant 0 : i32
      %dma_wait3A_268 = arith.constant 0 : i32
      %dma_wait3A_269 = tpu.memref_slice %arg2[%add3A_263, %dma_wait3A_267, %dma_wait3A_268] : memref<25600x8x128xf32, #tpu.memory_space<hbm>> -> memref<10x8x128xf32, #tpu.memory_space<hbm>>
      tpu.wait_dma2 semaphore(%arg18 : memref<!tpu.dma_semaphore, #tpu.memory_space<semaphore_mem>>) src(%dma_wait3A_269 : memref<10x8x128xf32, #tpu.memory_space<hbm>>) dst(%arg10 : memref<10x8x128xf32, #tpu.memory_space<vmem>>)
      %mul3A_270 = arith.constant 10 : i32
      %mul3A_271 = arith.muli %add3A_253, %mul3A_270 : i32
      %mul3A_272 = arith.constant 8 : i32
      %mul3A_273 = arith.muli %mul3A_271, %mul3A_272 : i32
      %dma_wait3A_274 = tpu.memref_slice %arg6[%mul3A_273] : memref<6400xi32, #tpu.memory_space<vmem>> -> memref<80xi32, #tpu.memory_space<vmem>>
      %dma_wait3A_275 = arith.constant 0 : i32
      %dma_wait3A_276 = arith.constant 0 : i32
      %dma_wait3A_277 = tpu.memref_slice %arg4[%dma_wait3A_275, %dma_wait3A_276] : memref<100000x128xf32, #tpu.memory_space<hbm>> -> memref<100000x128xf32, #tpu.memory_space<hbm>>
      tpu.wait_indirect_dma semaphore(%arg22 : memref<!tpu.dma_semaphore, #tpu.memory_space<semaphore_mem>>) src(%dma_wait3A_277 : memref<100000x128xf32, #tpu.memory_space<hbm>>) dst(%arg14 : memref<80x128xf32, #tpu.memory_space<vmem>>)
      %mul3A_278 = arith.constant 10 : i32
      %mul3A_279 = arith.muli %add3A_253, %mul3A_278 : i32
      %add3A_280 = arith.addi %mul3A_2, %mul3A_279 : i32
      %dma_start3A_281 = arith.constant 0 : i32
      %dma_start3A_282 = arith.constant 0 : i32
      %dma_start3A_283 = tpu.memref_slice %arg5[%add3A_280, %dma_start3A_281, %dma_start3A_282] : memref<25600x16x128xf32, #tpu.memory_space<hbm>> -> memref<10x8x128xf32, #tpu.memory_space<hbm>>
      %dma_start3A_284 = arith.constant 0 : i32
      %dma_start3A_285 = arith.constant 0 : i32
      %dma_start3A_286 = tpu.memref_slice %arg5[%add3A_280, %dma_start3A_284, %dma_start3A_285] : memref<25600x16x128xf32, #tpu.memory_space<hbm>> -> memref<10x8x128xf32, #tpu.memory_space<hbm>>
      tpu.enqueue_dma source(%arg10 : memref<10x8x128xf32, #tpu.memory_space<vmem>>) target(%dma_start3A_286 : memref<10x8x128xf32, #tpu.memory_space<hbm>>) target_semaphore(%arg26 : memref<!tpu.dma_semaphore, #tpu.memory_space<semaphore_mem>>)
      %mul3A_287 = arith.constant 10 : i32
      %mul3A_288 = arith.muli %add3A_253, %mul3A_287 : i32
      %add3A_289 = arith.addi %mul3A_2, %mul3A_288 : i32
      %dma_start3A_290 = tpu.memref_reshape %arg14 : memref<80x128xf32, #tpu.memory_space<vmem>> -> memref<10x8x128xf32, #tpu.memory_space<vmem>>
      %dma_start3A_291 = arith.constant 8 : i32
      %dma_start3A_292 = arith.constant 0 : i32
      %dma_start3A_293 = tpu.memref_slice %arg5[%add3A_289, %dma_start3A_291, %dma_start3A_292] : memref<25600x16x128xf32, #tpu.memory_space<hbm>> -> memref<10x8x128xf32, #tpu.memory_space<hbm>>
      %dma_start3A_294 = arith.constant 8 : i32
      %dma_start3A_295 = arith.constant 0 : i32
      %dma_start3A_296 = tpu.memref_slice %arg5[%add3A_289, %dma_start3A_294, %dma_start3A_295] : memref<25600x16x128xf32, #tpu.memory_space<hbm>> -> memref<10x8x128xf32, #tpu.memory_space<hbm>>
      %dma_start3A_297 = tpu.memref_reshape %arg14 : memref<80x128xf32, #tpu.memory_space<vmem>> -> memref<10x8x128xf32, #tpu.memory_space<vmem>>
      tpu.enqueue_dma source(%dma_start3A_297 : memref<10x8x128xf32, #tpu.memory_space<vmem>>) target(%dma_start3A_296 : memref<10x8x128xf32, #tpu.memory_space<hbm>>) target_semaphore(%arg30 : memref<!tpu.dma_semaphore, #tpu.memory_space<semaphore_mem>>)
      %scan3A_298 = arith.constant 0 : i32
      scf.yield %scan3A_298 : i32
    }
    %scan3A_35 = arith.constant 20 : i32
    %add3A_36 = arith.constant 760 : i32
    %add3A_37 = arith.addi %mul3A_2, %add3A_36 : i32
    %dma_wait3A = arith.constant 0 : i32
    %dma_wait3A_38 = arith.constant 0 : i32
    %dma_wait3A_39 = tpu.memref_slice %arg5[%add3A_37, %dma_wait3A, %dma_wait3A_38] : memref<25600x16x128xf32, #tpu.memory_space<hbm>> -> memref<10x8x128xf32, #tpu.memory_space<hbm>>
    %dma_wait3A_40 = arith.constant 0 : i32
    %dma_wait3A_41 = arith.constant 0 : i32
    %dma_wait3A_42 = tpu.memref_slice %arg5[%add3A_37, %dma_wait3A_40, %dma_wait3A_41] : memref<25600x16x128xf32, #tpu.memory_space<hbm>> -> memref<10x8x128xf32, #tpu.memory_space<hbm>>
    tpu.wait_dma2 semaphore(%arg23 : memref<!tpu.dma_semaphore, #tpu.memory_space<semaphore_mem>>) src(%arg7 : memref<10x8x128xf32, #tpu.memory_space<vmem>>) dst(%dma_wait3A_42 : memref<10x8x128xf32, #tpu.memory_space<hbm>>)
    %add3A_43 = arith.constant 760 : i32
    %add3A_44 = arith.addi %mul3A_2, %add3A_43 : i32
    %dma_wait3A_45 = tpu.memref_reshape %arg11 : memref<80x128xf32, #tpu.memory_space<vmem>> -> memref<10x8x128xf32, #tpu.memory_space<vmem>>
    %dma_wait3A_46 = arith.constant 8 : i32
    %dma_wait3A_47 = arith.constant 0 : i32
    %dma_wait3A_48 = tpu.memref_slice %arg5[%add3A_44, %dma_wait3A_46, %dma_wait3A_47] : memref<25600x16x128xf32, #tpu.memory_space<hbm>> -> memref<10x8x128xf32, #tpu.memory_space<hbm>>
    %dma_wait3A_49 = arith.constant 8 : i32
    %dma_wait3A_50 = arith.constant 0 : i32
    %dma_wait3A_51 = tpu.memref_slice %arg5[%add3A_44, %dma_wait3A_49, %dma_wait3A_50] : memref<25600x16x128xf32, #tpu.memory_space<hbm>> -> memref<10x8x128xf32, #tpu.memory_space<hbm>>
    %dma_wait3A_52 = tpu.memref_reshape %arg11 : memref<80x128xf32, #tpu.memory_space<vmem>> -> memref<10x8x128xf32, #tpu.memory_space<vmem>>
    tpu.wait_dma2 semaphore(%arg27 : memref<!tpu.dma_semaphore, #tpu.memory_space<semaphore_mem>>) src(%dma_wait3A_52 : memref<10x8x128xf32, #tpu.memory_space<vmem>>) dst(%dma_wait3A_51 : memref<10x8x128xf32, #tpu.memory_space<hbm>>)
    %add3A_53 = arith.constant 770 : i32
    %add3A_54 = arith.addi %mul3A_2, %add3A_53 : i32
    %dma_wait3A_55 = arith.constant 0 : i32
    %dma_wait3A_56 = arith.constant 0 : i32
    %dma_wait3A_57 = tpu.memref_slice %arg5[%add3A_54, %dma_wait3A_55, %dma_wait3A_56] : memref<25600x16x128xf32, #tpu.memory_space<hbm>> -> memref<10x8x128xf32, #tpu.memory_space<hbm>>
    %dma_wait3A_58 = arith.constant 0 : i32
    %dma_wait3A_59 = arith.constant 0 : i32
    %dma_wait3A_60 = tpu.memref_slice %arg5[%add3A_54, %dma_wait3A_58, %dma_wait3A_59] : memref<25600x16x128xf32, #tpu.memory_space<hbm>> -> memref<10x8x128xf32, #tpu.memory_space<hbm>>
    tpu.wait_dma2 semaphore(%arg24 : memref<!tpu.dma_semaphore, #tpu.memory_space<semaphore_mem>>) src(%arg8 : memref<10x8x128xf32, #tpu.memory_space<vmem>>) dst(%dma_wait3A_60 : memref<10x8x128xf32, #tpu.memory_space<hbm>>)
    %add3A_61 = arith.constant 770 : i32
    %add3A_62 = arith.addi %mul3A_2, %add3A_61 : i32
    %dma_wait3A_63 = tpu.memref_reshape %arg12 : memref<80x128xf32, #tpu.memory_space<vmem>> -> memref<10x8x128xf32, #tpu.memory_space<vmem>>
    %dma_wait3A_64 = arith.constant 8 : i32
    %dma_wait3A_65 = arith.constant 0 : i32
    %dma_wait3A_66 = tpu.memref_slice %arg5[%add3A_62, %dma_wait3A_64, %dma_wait3A_65] : memref<25600x16x128xf32, #tpu.memory_space<hbm>> -> memref<10x8x128xf32, #tpu.memory_space<hbm>>
    %dma_wait3A_67 = arith.constant 8 : i32
    %dma_wait3A_68 = arith.constant 0 : i32
    %dma_wait3A_69 = tpu.memref_slice %arg5[%add3A_62, %dma_wait3A_67, %dma_wait3A_68] : memref<25600x16x128xf32, #tpu.memory_space<hbm>> -> memref<10x8x128xf32, #tpu.memory_space<hbm>>
    %dma_wait3A_70 = tpu.memref_reshape %arg12 : memref<80x128xf32, #tpu.memory_space<vmem>> -> memref<10x8x128xf32, #tpu.memory_space<vmem>>
    tpu.wait_dma2 semaphore(%arg28 : memref<!tpu.dma_semaphore, #tpu.memory_space<semaphore_mem>>) src(%dma_wait3A_70 : memref<10x8x128xf32, #tpu.memory_space<vmem>>) dst(%dma_wait3A_69 : memref<10x8x128xf32, #tpu.memory_space<hbm>>)
    %add3A_71 = arith.constant 780 : i32
    %add3A_72 = arith.addi %mul3A_2, %add3A_71 : i32
    %dma_wait3A_73 = arith.constant 0 : i32
    %dma_wait3A_74 = arith.constant 0 : i32
    %dma_wait3A_75 = tpu.memref_slice %arg5[%add3A_72, %dma_wait3A_73, %dma_wait3A_74] : memref<25600x16x128xf32, #tpu.memory_space<hbm>> -> memref<10x8x128xf32, #tpu.memory_space<hbm>>
    %dma_wait3A_76 = arith.constant 0 : i32
    %dma_wait3A_77 = arith.constant 0 : i32
    %dma_wait3A_78 = tpu.memref_slice %arg5[%add3A_72, %dma_wait3A_76, %dma_wait3A_77] : memref<25600x16x128xf32, #tpu.memory_space<hbm>> -> memref<10x8x128xf32, #tpu.memory_space<hbm>>
    tpu.wait_dma2 semaphore(%arg25 : memref<!tpu.dma_semaphore, #tpu.memory_space<semaphore_mem>>) src(%arg9 : memref<10x8x128xf32, #tpu.memory_space<vmem>>) dst(%dma_wait3A_78 : memref<10x8x128xf32, #tpu.memory_space<hbm>>)
    %add3A_79 = arith.constant 780 : i32
    %add3A_80 = arith.addi %mul3A_2, %add3A_79 : i32
    %dma_wait3A_81 = tpu.memref_reshape %arg13 : memref<80x128xf32, #tpu.memory_space<vmem>> -> memref<10x8x128xf32, #tpu.memory_space<vmem>>
    %dma_wait3A_82 = arith.constant 8 : i32
    %dma_wait3A_83 = arith.constant 0 : i32
    %dma_wait3A_84 = tpu.memref_slice %arg5[%add3A_80, %dma_wait3A_82, %dma_wait3A_83] : memref<25600x16x128xf32, #tpu.memory_space<hbm>> -> memref<10x8x128xf32, #tpu.memory_space<hbm>>
    %dma_wait3A_85 = arith.constant 8 : i32
    %dma_wait3A_86 = arith.constant 0 : i32
    %dma_wait3A_87 = tpu.memref_slice %arg5[%add3A_80, %dma_wait3A_85, %dma_wait3A_86] : memref<25600x16x128xf32, #tpu.memory_space<hbm>> -> memref<10x8x128xf32, #tpu.memory_space<hbm>>
    %dma_wait3A_88 = tpu.memref_reshape %arg13 : memref<80x128xf32, #tpu.memory_space<vmem>> -> memref<10x8x128xf32, #tpu.memory_space<vmem>>
    tpu.wait_dma2 semaphore(%arg29 : memref<!tpu.dma_semaphore, #tpu.memory_space<semaphore_mem>>) src(%dma_wait3A_88 : memref<10x8x128xf32, #tpu.memory_space<vmem>>) dst(%dma_wait3A_87 : memref<10x8x128xf32, #tpu.memory_space<hbm>>)
    %add3A_89 = arith.constant 790 : i32
    %add3A_90 = arith.addi %mul3A_2, %add3A_89 : i32
    %dma_wait3A_91 = arith.constant 0 : i32
    %dma_wait3A_92 = arith.constant 0 : i32
    %dma_wait3A_93 = tpu.memref_slice %arg5[%add3A_90, %dma_wait3A_91, %dma_wait3A_92] : memref<25600x16x128xf32, #tpu.memory_space<hbm>> -> memref<10x8x128xf32, #tpu.memory_space<hbm>>
    %dma_wait3A_94 = arith.constant 0 : i32
    %dma_wait3A_95 = arith.constant 0 : i32
    %dma_wait3A_96 = tpu.memref_slice %arg5[%add3A_90, %dma_wait3A_94, %dma_wait3A_95] : memref<25600x16x128xf32, #tpu.memory_space<hbm>> -> memref<10x8x128xf32, #tpu.memory_space<hbm>>
    tpu.wait_dma2 semaphore(%arg26 : memref<!tpu.dma_semaphore, #tpu.memory_space<semaphore_mem>>) src(%arg10 : memref<10x8x128xf32, #tpu.memory_space<vmem>>) dst(%dma_wait3A_96 : memref<10x8x128xf32, #tpu.memory_space<hbm>>)
    %add3A_97 = arith.constant 790 : i32
    %add3A_98 = arith.addi %mul3A_2, %add3A_97 : i32
    %dma_wait3A_99 = tpu.memref_reshape %arg14 : memref<80x128xf32, #tpu.memory_space<vmem>> -> memref<10x8x128xf32, #tpu.memory_space<vmem>>
    %dma_wait3A_100 = arith.constant 8 : i32
    %dma_wait3A_101 = arith.constant 0 : i32
    %dma_wait3A_102 = tpu.memref_slice %arg5[%add3A_98, %dma_wait3A_100, %dma_wait3A_101] : memref<25600x16x128xf32, #tpu.memory_space<hbm>> -> memref<10x8x128xf32, #tpu.memory_space<hbm>>
    %dma_wait3A_103 = arith.constant 8 : i32
    %dma_wait3A_104 = arith.constant 0 : i32
    %dma_wait3A_105 = tpu.memref_slice %arg5[%add3A_98, %dma_wait3A_103, %dma_wait3A_104] : memref<25600x16x128xf32, #tpu.memory_space<hbm>> -> memref<10x8x128xf32, #tpu.memory_space<hbm>>
    %dma_wait3A_106 = tpu.memref_reshape %arg14 : memref<80x128xf32, #tpu.memory_space<vmem>> -> memref<10x8x128xf32, #tpu.memory_space<vmem>>
    tpu.wait_dma2 semaphore(%arg30 : memref<!tpu.dma_semaphore, #tpu.memory_space<semaphore_mem>>) src(%dma_wait3A_106 : memref<10x8x128xf32, #tpu.memory_space<vmem>>) dst(%dma_wait3A_105 : memref<10x8x128xf32, #tpu.memory_space<hbm>>)
    return
  }
}

</mosaic_0001>

<sc_bundles>
// kernel: sc_concat_tag.3.cloned.1.call-start
scs
__scs_entry_jumppad:
0x0: {  	(pc) =	sbr.rel $0x88, $3  }
0x1: {  	(tag) =	ssettag $0x0;
	lr =	simm.s32 $0x1  }
0x2: {  	[smem:$0x3F9E] =	sst lr;
	_ =	strace $0xD0000000  }
0x3: {  	_ = 	snop  }
0x4: {  	_ = 	snop  }
0x5: {  	_ = 	snop  }
0x6: {  	_ = 	snop  }
0x7: {  	_ = 	snop  }
__scs_overlays_trampoline_lowered:
0x8: {  	[smem:$0x3FAD] =	sst s0  }
0x9: {  	[smem:$0x3FAE] =	sst s1  }
0xa: {  	[smem:$0x3FAF] =	sst s2  }
0xb: {  	[smem:$0x3FB0] =	sst s3  }
0xc: {  	[smem:$0x3FB1] =	sst s4  }
0xd: {  	[smem:$0x3FB2] =	sst s5  }
0xe: {  	[smem:$0x3FB3] =	sst s6  }
0xf: {  	[smem:$0x3FB4] =	sst s7  }
0x10: {  	[smem:$0x3FB5] =	sst s8  }
0x11: {  	[smem:$0x3FB6] =	sst s9;
	s0 =	simm.s32 @!p0 $0x0  }
0x12: {  	s1 =	sld [smem:$0x3F9C];
	s0 =	simm.s32 @p0 $0x1  }
0x13: {  	[smem:$0x3FB7] =	sst s0;
	s0 =	simm.s32 @!p1 $0x0  }
0x14: {  	s2 =	sld [smem:$0x3F9B];
	s0 =	simm.s32 @p1 $0x1  }
0x15: {  	[smem:$0x3FB8] =	sst s0;
	s0 =	simm.s32 @!p2 $0x0  }
0x16: {  	s3 =	sld [smem:$0x3FDB];
	s0 =	simm.s32 @p2 $0x1  }
0x17: {  	s4 =	simm.s32 $0x1BF5;
	[smem:$0x3FBA] =	sst s0  }
0x18: {  	s0 =	sld [smem:$0x3F9D];
	_ =	swait.ge [sflag:s4], $0x0  }
0x19: {  	s7 =	sld [smem:$0x3F9E]  }
0x1a: {  	s8 =	sadd.s32 $0xFFFFE003, lr  }
0x1b: {  	s9 =	sadd.s32 $0xFFFFFEF7, lr;
	s5 =	simm.s32 $0xFFFFFFFF;
	p2 =	slt.u32 s8, $0xFFFFF086  }
0x1c: {  	p1 =	slt.u32 s9, $0xF7A;
	s5 =	simm.s32 @!p2 $0x0  }
0x1d: {  	s5 =	simm.s32 @p1 $0x1;
	p0 =	seq.s32 s7, s2  }
0x1e: {  	s7 =	smul.u32 @!p0 $0xF7A, s2;
	p2 =	seq.s32 @!p0 s5, $0x0  }
0x1f: {  	s9 =	smul.u32 $0xF7A, s1;
	s8 =	simm.s32 @!p0 $0x1BF5;
	p2 =	por !p2, p0  }
0x20: {  	[sflag:s8] =	ssyncset.s32 @!p0 $0xFFFFF086;
	s6 =	sadd.s32 @!p0 s3, s7;
	s7 =	simm.s32 @!p0 $0x108  }
0x21: {  	s3 =	sadd.s32 s3, s9;
	s6 =	sadd.s32 @!p0 $0x88, s6;
	s7 =	simm.s32 @p2 $0x1082  }
0x22: {  	[simem:s7], [sflag:s8] =	dma.local @!p0 [hbm:s6], $0xF7A  }
0x23: {  	s9 =	sor.u32 $0xD0000000, s2;
	s6 =	simm.s32 $0x108;
	_ =	swait.ge @!p0 [sflag:s8], $0x0  }
0x24: {  	s3 =	sadd.s32 $0x88, s3;
	s6 =	simm.s32 @!p1 $0x1082;
	[sflag:s4] =	ssyncset.s32 $0xFFFFF086  }
0x25: {  	[simem:s6], [sflag:s4] =	dma.local [hbm:s3], $0xF7A  }
0x26: {  	[smem:$0x3F9E] =	sst s1;
	(tag) =	ssettag s2;
	_ =	strace s9  }
0x27: {  	s1 =	sld [smem:$0x3FAE]  }
0x28: {  	s2 =	sld [smem:$0x3FAF]  }
0x29: {  	s4 =	sld [smem:$0x3FB1]  }
0x2a: {  	p0 =	seq.s32 s5, $0x0;
	s5 =	sld [smem:$0x3FB2]  }
0x2b: {  	s6 =	sld [smem:$0x3FB3]  }
0x2c: {  	s7 =	sld [smem:$0x3FB4]  }
0x2d: {  	s3 =	simm.s32 $0x108;
	s8 =	sld [smem:$0x3FB5]  }
0x2e: {  	s3 =	simm.s32 @!p0 $0x1082;
	s9 =	sld [smem:$0x3FB6]  }
0x2f: {  	lr =	sadd.s32 s0, s3;
	s0 =	sld [smem:$0x3FAD]  }
0x30: {  	s3 =	sld [smem:$0x3FB0]  }
0x31: {  	[smem:$0x3FB9] =	sst s10  }
0x32: {  	s10 =	sld [smem:$0x3FB7];
	_ =	sdelay $0x3  }
0x33: {  	p0 =	seq.s32 s10, $0x1;
	s10 =	sld [smem:$0x3FB9];
	_ =	sdelay $0x3  }
0x34: {  	[smem:$0x3FB9] =	sst s10  }
0x35: {  	s10 =	sld [smem:$0x3FB8];
	_ =	sdelay $0x3  }
0x36: {  	p1 =	seq.s32 s10, $0x1;
	s10 =	sld [smem:$0x3FB9];
	_ =	sdelay $0x3  }
0x37: {  	[smem:$0x3FB9] =	sst s10  }
0x38: {  	s10 =	sld [smem:$0x3FBA]  }
0x39: {  	_ = 	snop;
	(pc) =	sbr.ind lr, $3  }
0x3a: {  	_ = 	snop  }
0x3b: {  	_ = 	snop  }
0x3c: {  	p2 =	seq.s32 s10, $0x1;
	s10 =	sld [smem:$0x3FB9]  }
0x3d: {  	_ =	shalt  }
0x3e: {  	_ =	shalt  }
0x3f: {  	_ =	shalt  }
0x40: {  	_ =	shalt  }
0x41: {  	_ =	shalt  }
0x42: {  	_ =	shalt  }
0x43: {  	_ =	shalt  }
0x44: {  	_ =	shalt  }
0x45: {  	_ =	shalt  }
0x46: {  	_ =	shalt  }
0x47: {  	_ =	shalt  }
0x48: {  	_ =	shalt  }
0x49: {  	_ =	shalt  }
0x4a: {  	_ =	shalt  }
0x4b: {  	_ =	shalt  }
0x4c: {  	_ =	shalt  }
0x4d: {  	_ =	shalt  }
0x4e: {  	_ =	shalt  }
0x4f: {  	_ =	shalt  }
0x50: {  	_ =	shalt  }
0x51: {  	_ =	shalt  }
0x52: {  	_ =	shalt  }
0x53: {  	_ =	shalt  }
0x54: {  	_ =	shalt  }
0x55: {  	_ =	shalt  }
0x56: {  	_ =	shalt  }
0x57: {  	_ =	shalt  }
0x58: {  	_ =	shalt  }
0x59: {  	_ =	shalt  }
0x5a: {  	_ =	shalt  }
0x5b: {  	_ =	shalt  }
0x5c: {  	_ =	shalt  }
0x5d: {  	_ =	shalt  }
0x5e: {  	_ =	shalt  }
0x5f: {  	_ =	shalt  }
0x60: {  	_ =	shalt  }
0x61: {  	_ =	shalt  }
0x62: {  	_ =	shalt  }
0x63: {  	_ =	shalt  }
0x64: {  	_ =	shalt  }
0x65: {  	_ =	shalt  }
0x66: {  	_ =	shalt  }
0x67: {  	_ =	shalt  }
0x68: {  	_ =	shalt  }
0x69: {  	_ =	shalt  }
0x6a: {  	_ =	shalt  }
0x6b: {  	_ =	shalt  }
0x6c: {  	_ =	shalt  }
0x6d: {  	_ =	shalt  }
0x6e: {  	_ =	shalt  }
0x6f: {  	_ =	shalt  }
0x70: {  	_ =	shalt  }
0x71: {  	_ =	shalt  }
0x72: {  	_ =	shalt  }
0x73: {  	_ =	shalt  }
0x74: {  	_ =	shalt  }
0x75: {  	_ =	shalt  }
0x76: {  	_ =	shalt  }
0x77: {  	_ =	shalt  }
0x78: {  	_ =	shalt  }
0x79: {  	_ =	shalt  }
0x7a: {  	_ =	shalt  }
0x7b: {  	_ =	shalt  }
0x7c: {  	_ =	shalt  }
0x7d: {  	_ =	shalt  }
0x7e: {  	_ =	shalt  }
0x7f: {  	_ =	shalt  }
0x80: {  	_ =	shalt  }
0x81: {  	_ =	shalt  }
0x82: {  	_ =	shalt  }
0x83: {  	_ =	shalt  }
0x84: {  	_ =	shalt  }
0x85: {  	_ =	shalt  }
0x86: {  	_ =	shalt  }
0x87: {  	_ =	shalt  }
.Lfunc_end0:
.L_simem_size_0:
called_computation_lowered:
.L_overlay_start_0:
0x88: {  	s2 =	sld [smem:$0x3FD9]  }
0x89: {  	s3 =	sld [smem:$0x3FFE];
	_ =	sdelay $0x1  }
0x8a: {  	s1 =	srdreg.scid  }
0x8b: {  	s0 =	sand.u32 $0x1, s1  }
0x8c: {  	s17 =	sshll.u32 s0, $0xA;
	s2 =	sadd.s32 s3, s2  }
0x8d: {  	s2 =	sadd.s32 s2, s17  }
0x8e: {  	[smem:$0x3FC5] =	sst s2  }
0x8f: {  	_ = 	snop  }
0x90: {  	s2 =	sld [smem:$0x3FC9]  }
0x91: {  	s18 =	sld [smem:$0x3FC7]  }
0x92: {  	s4 =	sld [smem:$0x3FD0];
	(tm) =	ssettm $0x1  }
0x93: {  	s5 =	sld [smem:$0x3FFB];
	_ =	sdelay $0x3  }
0x94: {  	_ =	strace s5  }
0x95: {  	s5 =	sld [smem:$0x3FFC];
	_ =	sdelay $0x3  }
0x96: {  	_ =	strace s5  }
0x97: {  	s5 =	sld [smem:$0x3FFD];
	_ =	sdelay $0x3  }
0x98: {  	_ =	strace s5  }
0x99: {  	_ =	strace $0x8FFFFFFF  }
0x9a: {  	s19 =	sld [smem:$0x3FDB];
	_ =	sdelay $0x1  }
0x9b: {  	s6 =	simm.s32 $_scs_section_size  }
0x9c: {  	s7 =	simm.s32 $_size__tile_overlayer_lowered;
	s8 =	simm.s32 $_tile_overlayer_lowered  }
0x9d: {  	s22 =	simm.s32 $0x1BFF;
	s21 =	sshll.u32 s8, $0x1;
	s5 =	sadd.s32 s6, s19  }
0x9e: {  	s9 =	simm.s32 $0x0;
	s20 =	sshll.u32 s7, $0x1;
	s7 =	sadd.s32 s21, s5  }
0x9f: {  	[timem:s9], [sflag:s22] =	dma.local [hbm:s7], s20  }
0xa0: {  	_ =	swait.ge [sflag:s22], s20  }
0xa1: {  	s6 =	ssub.s32 $0x0, s20;
	[sflag:s22] =	ssyncset.done $0x0  }
0xa2: {  	[sflag:s22] =	ssyncadd.s32 s6;
	_ =	sdelay $0x1  }
0xa3: {  	s23 =	simm.s32 $0x1B8B  }
0xa4: {  	_ =	swait.ge [sflag:s23], $0x1  }
0xa5: {  	[sflag:s23] =	ssyncset.done $0x0  }
0xa6: {  	s25 =	simm.s32 $0x1B8E;
	s24 =	sld [smem:$0x3FFE];
	[sflag:s23] =	ssyncadd.s32 $0xFFFFFFFF  }
0xa7: {  	s26 =	simm.s32 $execute0_lowered;
	[smem:$0x3FD2] =	sst s25  }
0xa8: {  	s7 =	sshll.u32 s26, $0x1;
	_ =	strace $0x80000046;
	[dreg:$0x1] =	wrdreg $0xFFFFFFFF  }
0xa9: {  	s28 =	simm.s32 $_size_execute0_lowered;
	s5 =	sadd.s32 s5, s7;
	[dreg:$0x0] =	wrdreg $0x0  }
0xaa: {  	s7 =	sshll.u32 s28, $0x1;
	[dreg:$0x2] =	wrdreg s5  }
0xab: {  	[dreg:$0x3] =	wrdreg s7  }
0xac: {  	[dreg:$0x4] =	wrdreg $0xC0  }
0xad: {  	_ =	task [dreg:s9], $0x5FFFF  }
0xae: {  	[dreg:$0x1] =	wrdreg $0xFFFFFFFF  }
0xaf: {  	[dreg:$0x0] =	wrdreg $0x60  }
0xb0: {  	[dreg:$0x2] =	wrdreg s2  }
0xb1: {  	[dreg:$0x3] =	wrdreg s24  }
0xb2: {  	[dreg:$0x4] =	wrdreg s18  }
0xb3: {  	[dreg:$0x5] =	wrdreg s4  }
0xb4: {  	[dreg:$0x6] =	wrdreg $0x9  }
0xb5: {  	_ =	task.clear_ibuf [dreg:s9], $0x7FFFF;
	_ =	strace $0x90000046  }
0xb6: {  	s29 =	simm.s32 $0x9;
	_ =	strace $0x80000048  }
0xb7: {  	_ =	swait.ge [sflag:s29], $0x1  }
0xb8: {  	[sflag:s29] =	ssyncadd.s32 $0xFFFFFFFF  }
0xb9: {  	_ =	strace $0x90000048  }
0xba: {  	_ =	sfence  }
0xbb: {  	s30 =	sld [smem:$0x0];
	_ =	sdelay $0x2  }
0xbc: {  	s31 =	sshll.u32 s1, $0xD;
	s1 =	sshrl.u32 s1, $0x2  }
0xbd: {  	s3 =	sand.u32 $0x4000, s31;
	s1 =	sadd.s32 s1, s30  }
0xbe: {  	s0 =	sor.u32 s3, s0;
	s1 =	sshll.u32 s1, $0x11  }
0xbf: {  	s0 =	sor.u32 s1, s0  }
0xc0: {  	s0 =	sadd.s32 $0x8F2B, s0  }
0xc1: {  	[sflag:s0] =	ssyncadd.remote.s32 $0x1  }
0xc2: {  	_ =	sfence.sel $0xFFFF  }
0xc3: {  	[dreg:$0x0] =	wrdreg $0xFFFFFFFF;
	(pc) =	sbr.abs _section_cstart, $3  }
0xc4: {  	[dreg:$0x1] =	wrdreg $0xFFFFFFFF  }
0xc5: {  	_ =	task.clear_ibuf [dreg:s9], $0x2FFFF;
	_ =	strace $0x9FFFFFFF  }
0xc6: {  	(tm) =	ssettm $0x7FFFFFFF  }
0xc7: {  	_ =	shalt  }
tec
execute0_lowered:
.L_overlay_start_1:
0x0: {  	(tag) =	ssettag $0x1  }
0x1: {  	s0 =	rddreg [dreg:$0x0]  }
0x2: {  	s4 =	rddreg [dreg:$0x1]  }
0x3: {  	s1 =	srdreg.scid;
	s2 =	rddreg [dreg:$0x2]  }
0x4: {  	s10 =	stileid.u32;
	s6 =	rddreg [dreg:$0x3]  }
0x5: {  	s14 =	simm.s32 $0x50;
	s28 =	simm.s32 $0x6;
	s8 =	smul.u32 $0x64000, s10  }
0x6: {  	s1 =	sand.u32 $0x1, s1;
	s3 =	sshll.u32 s10, $0x1;
	s10 =	smul.u32 $0x640, s10  }
0x7: {  	s29 =	simm.s32 $0x3;
	s30 =	simm.s32 $0x7;
	s11 =	smul.u32 $0x320, s1  }
0x8: {  	s5 =	sor.u32 s1, s3;
	s9 =	ssub.s32 $0x2, s1;
	s1 =	smul.u32 $0x32000, s1  }
0x9: {  	s31 =	simm.s32 $0x4;
	s3 =	simm.s32 $0x0;
	s7 =	smul.u32 $0x320, s5  }
0xa: {  	s5 =	smul.u32 $0x19000, s5;
	[smem:$0x7FF] =	sst s3;
	s17 =	sshrl.u32 s9, $0x1  }
0xb: {  	s19 =	sadd.s32 s8, s6;
	_ =	strace $0x80000047;
	s20 =	sadd.s32 s11, s10  }
0xc: {  	s1 =	sadd.s32 s1, s19;
	s19 =	simm.s32 $0x10900;
	s4 =	sadd.s32 s7, s4  }
0xd: {  	s7 =	ssub.s32 s9, s17;
	s18 =	sadd.s32 s0, s5;
	[dreg:$0x5] =	wrdreg s1  }
0xe: {  	s22 =	sshll.u32 s20, $0x7;
	s4 =	sadd.s32 $0x400, s4;
	[dreg:$0x7] =	wrdreg s18  }
0xf: {  	s20 =	simm.s32 $0x1;
	s21 =	sadd.s32 $0x500, s18;
	[dreg:$0x6] =	wrdreg s4  }
0x10: {  	s23 =	smax.u32 s7, $0x1;
	s0 =	sadd.s32 s0, s22;
	[dreg:$0x8] =	wrdreg s21  }
0x11: {  	s1 =	simm.s32 $0x8;
	[dreg:$0x9] =	wrdreg s23;
	s24 =	sadd.s32 $0xF00, s0  }
0x12: {  	s5 =	simm.s32 $0x0;
	s25 =	sadd.s32 $0xA00, s0;
	[dreg:$0xa] =	wrdreg s24  }
0x13: {  	s18 =	simm.s32 $0x6900;
	s26 =	sadd.s32 $0x1400, s0;
	[dreg:$0xb] =	wrdreg s25  }
0x14: {  	s22 =	simm.s32 $0x400;
	s0 =	sadd.s32 $0x1900, s0;
	[dreg:$0xc] =	wrdreg s26  }
0x15: {  	s21 =	simm.s32 $0x5;
	s23 =	simm.s32 $0x800;
	[dreg:$0xd] =	wrdreg s0  }
0x16: {  	s24 =	simm.s32 $0x9100;
	s25 =	simm.s32 $0x13100;
	s26 =	simm.s32 $0x2  }
.LBB2_1:
0x17: {  	[dreg:$0xe] =	wrdreg s5  }
0x18: {  	s0 =	rddreg [dreg:$0x6];
	s15 =	simm.s32 $0x11  }
0x19: {  	[tilespmem:s3], [sflag:$0x11] =	stream.linear.gather [hbm4b:s0+s3], $0x1900, $0x38;
	[tilespmem:$0x15900] =	vst v63  }
0x1a: {  	_ =	swait.ge [sflag:s15], $0x1900  }
0x1b: {  	[sflag:s15] =	ssyncset.done $0x0  }
0x1c: {  	s17 =	simm.s32 $0x1900;
	s16 =	rddreg [dreg:$0x7];
	[sflag:s15] =	ssyncadd.s32 $0xFFFFE700  }
0x1d: {  	[tilespmem:s17], [sflag:$0x1] =	stream.linear.gather [hbm4b:s16+s3], $0x2800, $0x38;
	[tilespmem:$0x15900] =	vst v63  }
0x1e: {  	s6 =	simm.s32 $0xB900;
	p0 =	por $0x1, $0x1  }
0x1f: {  	[tilespmem:s6], [sflag:$0x5] =	stream.indirect.gather [hbm4b:s2+s14], $0x80, s3, s14, $0xb8;
	[tilespmem:$0x15900] =	vst v63  }
0x20: {  	s7 =	simm.s32 $0x4100;
	p0 =	por p0, p0;
	s9 =	rddreg [dreg:$0x8]  }
0x21: {  	[tilespmem:s7], [sflag:$0x2] =	stream.linear.gather [hbm4b:s9+s3], $0x2800, $0x38;
	[tilespmem:$0x15900] =	vst v63  }
0x22: {  	s0 =	simm.s32 @!p0 $0xB;
	s9 =	simm.s32 $0xE100  }
0x23: {  	[tilespmem:s9], [sflag:$0x6] =	stream.indirect.gather [hbm4b:s2+s14], $0x80, s14, s14, $0xb8;
	[tilespmem:$0x15900] =	vst v63  }
0x24: {  	_ =	swait.ge @!p0 [sflag:s0], $0x2800  }
0x25: {  	[sflag:s0] =	ssyncset.done @!p0 $0x0  }
0x26: {  	[sflag:s0] =	ssyncadd.s32 @!p0 $0xFFFFD800;
	s0 =	simm.s32 @!p0 $0xF  }
0x27: {  	_ =	swait.ge @!p0 [sflag:s0], $0x2800  }
0x28: {  	[sflag:s0] =	ssyncset.done @!p0 $0x0  }
0x29: {  	s8 =	rddreg [dreg:$0xb];
	[sflag:s0] =	ssyncadd.s32 @!p0 $0xFFFFD800  }
0x2a: {  	[tilespmem:s18], [sflag:$0x3] =	stream.linear.gather [hbm4b:s8+s3], $0x2800, $0x38;
	[tilespmem:$0x15900] =	vst v63  }
0x2b: {  	s10 =	simm.s32 $0xA0  }
0x2c: {  	[tilespmem:s19], [sflag:$0x7] =	stream.indirect.gather [hbm4b:s2+s14], $0x80, s10, s14, $0xb8;
	[tilespmem:$0x15900] =	vst v63  }
0x2d: {  	_ =	swait.ge [sflag:s20], $0x2800  }
0x2e: {  	[sflag:s20] =	ssyncset.done $0x0  }
0x2f: {  	[sflag:s20] =	ssyncadd.s32 $0xFFFFD800  }
0x30: {  	_ =	swait.ge [sflag:s21], $0x2800  }
0x31: {  	s11 =	rddreg [dreg:$0x5];
	[sflag:s21] =	ssyncset.done $0x0  }
0x32: {  	[sflag:s21] =	ssyncadd.s32 $0xFFFFD800;
	s4 =	sadd.s32 $0x0, s11  }
0x33: {  	[hbm4b:s4+s22] =	stream.strided.scatter [tilespmem:s17], [sflag:$0x9], $0x2800, s23, s22, $0x38;
	[tilespmem:$0x15900] =	vst v63  }
0x34: {  	s5 =	simm.s32 @!p0 $0xC;
	s0 =	sadd.s32 $0x80, s4  }
0x35: {  	[hbm4b:s0+s22] =	stream.strided.scatter [tilespmem:s6], [sflag:$0xD], $0x2800, s23, s22, $0x38;
	[tilespmem:$0x15900] =	vst v63  }
0x36: {  	_ =	swait.ge @!p0 [sflag:s5], $0x2800  }
0x37: {  	[sflag:s5] =	ssyncset.done @!p0 $0x0  }
0x38: {  	s0 =	simm.s32 @!p0 $0x10;
	[sflag:s5] =	ssyncadd.s32 @!p0 $0xFFFFD800  }
0x39: {  	_ =	swait.ge @!p0 [sflag:s0], $0x2800  }
0x3a: {  	[sflag:s0] =	ssyncset.done @!p0 $0x0  }
0x3b: {  	s11 =	rddreg [dreg:$0xa];
	[sflag:s0] =	ssyncadd.s32 @!p0 $0xFFFFD800  }
0x3c: {  	[tilespmem:s24], [sflag:$0x4] =	stream.linear.gather [hbm4b:s11+s3], $0x2800, $0x38;
	[tilespmem:$0x15900] =	vst v63  }
0x3d: {  	s12 =	simm.s32 $0xF0  }
0x3e: {  	[tilespmem:s25], [sflag:$0x8] =	stream.indirect.gather [hbm4b:s2+s14], $0x80, s12, s14, $0xb8;
	[tilespmem:$0x15900] =	vst v63  }
0x3f: {  	_ =	swait.ge [sflag:s26], $0x2800  }
0x40: {  	[sflag:s26] =	ssyncset.done $0x0  }
0x41: {  	[sflag:s26] =	ssyncadd.s32 $0xFFFFD800  }
0x42: {  	_ =	swait.ge [sflag:s28], $0x2800  }
0x43: {  	[sflag:s28] =	ssyncset.done $0x0  }
0x44: {  	s13 =	sadd.s32 $0xA00, s4;
	p0 =	por $0x0, $0x0;
	[sflag:s28] =	ssyncadd.s32 $0xFFFFD800  }
0x45: {  	[hbm4b:s13+s22] =	stream.strided.scatter [tilespmem:s7], [sflag:$0xA], $0x2800, s23, s22, $0x38;
	[tilespmem:$0x15900] =	vst v63  }
0x46: {  	s15 =	sadd.s32 $0xA80, s4;
	s0 =	simm.s32 @!p0 $0x9  }
0x47: {  	[hbm4b:s15+s22] =	stream.strided.scatter [tilespmem:s9], [sflag:$0xE], $0x2800, s23, s22, $0x38;
	[tilespmem:$0x15900] =	vst v63  }
0x48: {  	_ =	swait.ge @!p0 [sflag:s0], $0x2800  }
0x49: {  	[sflag:s0] =	ssyncset.done @!p0 $0x0  }
0x4a: {  	s5 =	simm.s32 @!p0 $0xD;
	[sflag:s0] =	ssyncadd.s32 @!p0 $0xFFFFD800  }
0x4b: {  	_ =	swait.ge @!p0 [sflag:s5], $0x2800  }
0x4c: {  	s6 =	simm.s32 @!p0 $0x1900;
	[sflag:s5] =	ssyncset.done @!p0 $0x0  }
0x4d: {  	s0 =	simm.s32 @!p0 $0x0;
	s12 =	rddreg [dreg:$0xc];
	[sflag:s5] =	ssyncadd.s32 @!p0 $0xFFFFD800  }
0x4e: {  	[tilespmem:s6], [sflag:$0x1] =	stream.linear.gather @!p0 [hbm4b:s12+s0], $0x2800, $0x38;
	[tilespmem:$0x15900] =	vst v63  }
0x4f: {  	s7 =	simm.s32 @!p0 $0x50;
	s5 =	simm.s32 @!p0 $0xB900;
	s6 =	simm.s32 @!p0 $0x140  }
0x50: {  	[tilespmem:s5], [sflag:$0x5] =	stream.indirect.gather @!p0 [hbm4b:s2+s7], $0x80, s6, s7, $0xb8;
	[tilespmem:$0x15900] =	vst v63  }
0x51: {  	_ =	swait.ge [sflag:s29], $0x2800  }
0x52: {  	[sflag:s29] =	ssyncset.done $0x0  }
0x53: {  	[sflag:s29] =	ssyncadd.s32 $0xFFFFD800  }
0x54: {  	_ =	swait.ge [sflag:s30], $0x2800  }
0x55: {  	[sflag:s30] =	ssyncset.done $0x0  }
0x56: {  	s16 =	sadd.s32 $0x1400, s4;
	[sflag:s30] =	ssyncadd.s32 $0xFFFFD800  }
0x57: {  	[hbm4b:s16+s22] =	stream.strided.scatter [tilespmem:s18], [sflag:$0xB], $0x2800, s23, s22, $0x38;
	[tilespmem:$0x15900] =	vst v63  }
0x58: {  	s17 =	sadd.s32 $0x1480, s4;
	s6 =	simm.s32 @!p0 $0xA  }
0x59: {  	[hbm4b:s17+s22] =	stream.strided.scatter [tilespmem:s19], [sflag:$0xF], $0x2800, s23, s22, $0x38;
	[tilespmem:$0x15900] =	vst v63  }
0x5a: {  	_ =	swait.ge @!p0 [sflag:s6], $0x2800  }
0x5b: {  	[sflag:s6] =	ssyncset.done @!p0 $0x0  }
0x5c: {  	s5 =	simm.s32 @!p0 $0xE;
	[sflag:s6] =	ssyncadd.s32 @!p0 $0xFFFFD800  }
0x5d: {  	_ =	swait.ge @!p0 [sflag:s5], $0x2800  }
0x5e: {  	[sflag:s5] =	ssyncset.done @!p0 $0x0  }
0x5f: {  	s6 =	simm.s32 @!p0 $0x4100;
	s13 =	rddreg [dreg:$0xd];
	[sflag:s5] =	ssyncadd.s32 @!p0 $0xFFFFD800  }
0x60: {  	[tilespmem:s6], [sflag:$0x2] =	stream.linear.gather @!p0 [hbm4b:s13+s0], $0x2800, $0x38;
	[tilespmem:$0x15900] =	vst v63  }
0x61: {  	s5 =	simm.s32 @!p0 $0xE100;
	s0 =	simm.s32 @!p0 $0x190  }
0x62: {  	[tilespmem:s5], [sflag:$0x6] =	stream.indirect.gather @!p0 [hbm4b:s2+s7], $0x80, s0, s7, $0xb8;
	[tilespmem:$0x15900] =	vst v63  }
0x63: {  	_ =	swait.ge [sflag:s31], $0x2800  }
0x64: {  	[sflag:s31] =	ssyncset.done $0x0  }
0x65: {  	p6 =	por $0x0, $0x0;
	s8 =	sadd.s32 $0x1400, s8;
	[sflag:s31] =	ssyncadd.s32 $0xFFFFD800  }
0x66: {  	s10 =	sadd.s32 $0x1E80, s4;
	s4 =	sadd.s32 $0x1E00, s4;
	_ =	swait.ge [sflag:s1], $0x2800  }
0x67: {  	s9 =	simm.s32 $0x5000;
	s12 =	sadd.s32 $0x1400, s12;
	[sflag:s1] =	ssyncset.done $0x0  }
0x68: {  	s0 =	simm.s32 $0x2800;
	p0 =	por p6, p6;
	[sflag:s1] =	ssyncadd.s32 $0xFFFFD800  }
0x69: {  	[hbm4b:s4+s22] =	stream.strided.scatter [tilespmem:s24], [sflag:$0xC], $0x2800, s23, s22, $0x38;
	[tilespmem:$0x15900] =	vst v63  }
0x6a: {  	s7 =	sadd.s32 $0x1400, s13;
	s5 =	simm.s32 $0x230;
	s4 =	sadd.s32 $0x1400, s11  }
.LBB2_2:
0x6b: {  	s11 =	simm.s32 @!p0 $0xB  }
0x6c: {  	[hbm4b:s10+s22] =	stream.strided.scatter [tilespmem:s25], [sflag:$0x10], $0x2800, s23, s22, $0x38;
	[tilespmem:$0x15900] =	vst v63  }
0x6d: {  	_ =	swait.ge @!p0 [sflag:s11], $0x2800  }
0x6e: {  	[sflag:s11] =	ssyncset.done @!p0 $0x0  }
0x6f: {  	s10 =	simm.s32 @!p0 $0xF;
	[sflag:s11] =	ssyncadd.s32 @!p0 $0xFFFFD800  }
0x70: {  	_ =	swait.ge @!p0 [sflag:s10], $0x2800  }
0x71: {  	[sflag:s10] =	ssyncset.done @!p0 $0x0  }
0x72: {  	[sflag:s10] =	ssyncadd.s32 @!p0 $0xFFFFD800  }
0x73: {  	[tilespmem:s18], [sflag:$0x3] =	stream.linear.gather [hbm4b:s8+s3], $0x2800, $0x38;
	[tilespmem:$0x15900] =	vst v63  }
0x74: {  	s11 =	sadd.s32 $0xFFFFFFB0, s5  }
0x75: {  	[tilespmem:s19], [sflag:$0x7] =	stream.indirect.gather [hbm4b:s2+s14], $0x80, s11, s14, $0xb8;
	[tilespmem:$0x15900] =	vst v63  }
0x76: {  	_ =	swait.ge [sflag:s20], $0x2800  }
0x77: {  	[sflag:s20] =	ssyncset.done $0x0  }
0x78: {  	[sflag:s20] =	ssyncadd.s32 $0xFFFFD800  }
0x79: {  	_ =	swait.ge [sflag:s21], $0x2800  }
0x7a: {  	s13 =	rddreg [dreg:$0x5];
	[sflag:s21] =	ssyncset.done $0x0  }
0x7b: {  	s15 =	simm.s32 $0x1900;
	[sflag:s21] =	ssyncadd.s32 $0xFFFFD800;
	s11 =	sadd.s32 s0, s13  }
0x7c: {  	[hbm4b:s11+s22] =	stream.strided.scatter [tilespmem:s15], [sflag:$0x9], $0x2800, s23, s22, $0x38;
	[tilespmem:$0x15900] =	vst v63  }
0x7d: {  	s16 =	simm.s32 $0xB900;
	s13 =	sadd.s32 $0x80, s11;
	s15 =	simm.s32 @!p0 $0xC  }
0x7e: {  	[hbm4b:s13+s22] =	stream.strided.scatter [tilespmem:s16], [sflag:$0xD], $0x2800, s23, s22, $0x38;
	[tilespmem:$0x15900] =	vst v63  }
0x7f: {  	_ =	swait.ge @!p0 [sflag:s15], $0x2800  }
0x80: {  	[sflag:s15] =	ssyncset.done @!p0 $0x0  }
0x81: {  	s13 =	simm.s32 @!p0 $0x10;
	[sflag:s15] =	ssyncadd.s32 @!p0 $0xFFFFD800  }
0x82: {  	_ =	swait.ge @!p0 [sflag:s13], $0x2800  }
0x83: {  	[sflag:s13] =	ssyncset.done @!p0 $0x0  }
0x84: {  	[sflag:s13] =	ssyncadd.s32 @!p0 $0xFFFFD800  }
0x85: {  	[tilespmem:s24], [sflag:$0x4] =	stream.linear.gather [hbm4b:s4+s3], $0x2800, $0x38;
	[tilespmem:$0x15900] =	vst v63  }
0x86: {  	_ = 	snop  }
0x87: {  	[tilespmem:s25], [sflag:$0x8] =	stream.indirect.gather [hbm4b:s2+s14], $0x80, s5, s14, $0xb8;
	[tilespmem:$0x15900] =	vst v63  }
0x88: {  	_ =	swait.ge [sflag:s26], $0x2800  }
0x89: {  	[sflag:s26] =	ssyncset.done $0x0  }
0x8a: {  	p2 =	seq.s32 s9, $0x0;
	[sflag:s26] =	ssyncadd.s32 $0xFFFFD800  }
0x8b: {  	s6 =	smov.u32 s9;
	s17 =	simm.s32 $0x4100;
	_ =	swait.ge [sflag:s28], $0x2800  }
0x8c: {  	s16 =	sadd.s32 $0xA00, s11;
	p0 =	por p2, p2;
	[sflag:s28] =	ssyncset.done $0x0  }
0x8d: {  	p2 =	seq.s32 s0, $0x2F800;
	s0 =	smov.u32 s6;
	[sflag:s28] =	ssyncadd.s32 $0xFFFFD800  }
0x8e: {  	[hbm4b:s16+s22] =	stream.strided.scatter [tilespmem:s17], [sflag:$0xA], $0x2800, s23, s22, $0x38;
	[tilespmem:$0x15900] =	vst v63  }
0x8f: {  	s6 =	simm.s32 @!p2 $0x9;
	s16 =	sadd.s32 $0xA80, s11;
	s17 =	simm.s32 $0xE100  }
0x90: {  	[hbm4b:s16+s22] =	stream.strided.scatter [tilespmem:s17], [sflag:$0xE], $0x2800, s23, s22, $0x38;
	[tilespmem:$0x15900] =	vst v63  }
0x91: {  	_ =	swait.ge @!p2 [sflag:s6], $0x2800  }
0x92: {  	[sflag:s6] =	ssyncset.done @!p2 $0x0  }
0x93: {  	s13 =	simm.s32 @!p2 $0xD;
	[sflag:s6] =	ssyncadd.s32 @!p2 $0xFFFFD800  }
0x94: {  	_ =	swait.ge @!p2 [sflag:s13], $0x2800  }
0x95: {  	[sflag:s13] =	ssyncset.done @!p2 $0x0  }
0x96: {  	s15 =	simm.s32 @!p2 $0x0;
	s16 =	simm.s32 @!p2 $0x1900;
	[sflag:s13] =	ssyncadd.s32 @!p2 $0xFFFFD800  }
0x97: {  	[tilespmem:s16], [sflag:$0x1] =	stream.linear.gather @!p2 [hbm4b:s12+s15], $0x2800, $0x38;
	[tilespmem:$0x15900] =	vst v63  }
0x98: {  	s17 =	simm.s32 @!p2 $0x50;
	s6 =	simm.s32 @!p2 $0xB900;
	s13 =	sadd.s32 @!p2 $0x50, s5  }
0x99: {  	[tilespmem:s6], [sflag:$0x5] =	stream.indirect.gather @!p2 [hbm4b:s2+s17], $0x80, s13, s17, $0xb8;
	[tilespmem:$0x15900] =	vst v63  }
0x9a: {  	_ =	swait.ge [sflag:s29], $0x2800  }
0x9b: {  	[sflag:s29] =	ssyncset.done $0x0  }
0x9c: {  	[sflag:s29] =	ssyncadd.s32 $0xFFFFD800  }
0x9d: {  	_ =	swait.ge [sflag:s30], $0x2800  }
0x9e: {  	[sflag:s30] =	ssyncset.done $0x0  }
0x9f: {  	s13 =	sadd.s32 $0x1400, s11;
	[sflag:s30] =	ssyncadd.s32 $0xFFFFD800  }
0xa0: {  	[hbm4b:s13+s22] =	stream.strided.scatter [tilespmem:s18], [sflag:$0xB], $0x2800, s23, s22, $0x38;
	[tilespmem:$0x15900] =	vst v63  }
0xa1: {  	s16 =	sadd.s32 $0x1480, s11;
	s13 =	simm.s32 @!p2 $0xA  }
0xa2: {  	[hbm4b:s16+s22] =	stream.strided.scatter [tilespmem:s19], [sflag:$0xF], $0x2800, s23, s22, $0x38;
	[tilespmem:$0x15900] =	vst v63  }
0xa3: {  	_ =	swait.ge @!p2 [sflag:s13], $0x2800  }
0xa4: {  	[sflag:s13] =	ssyncset.done @!p2 $0x0  }
0xa5: {  	s6 =	simm.s32 @!p2 $0xE;
	[sflag:s13] =	ssyncadd.s32 @!p2 $0xFFFFD800  }
0xa6: {  	_ =	swait.ge @!p2 [sflag:s6], $0x2800  }
0xa7: {  	[sflag:s6] =	ssyncset.done @!p2 $0x0  }
0xa8: {  	s13 =	simm.s32 @!p2 $0x4100;
	[sflag:s6] =	ssyncadd.s32 @!p2 $0xFFFFD800  }
0xa9: {  	[tilespmem:s13], [sflag:$0x2] =	stream.linear.gather @!p2 [hbm4b:s7+s15], $0x2800, $0x38;
	[tilespmem:$0x15900] =	vst v63  }
0xaa: {  	s16 =	simm.s32 @!p2 $0xE100;
	s6 =	sadd.s32 @!p2 $0xA0, s5  }
0xab: {  	[tilespmem:s16], [sflag:$0x6] =	stream.indirect.gather @!p2 [hbm4b:s2+s17], $0x80, s6, s17, $0xb8;
	[tilespmem:$0x15900] =	vst v63  }
0xac: {  	s9 =	sadd.s32 $0x2800, s9;
	_ =	swait.ge [sflag:s31], $0x2800  }
0xad: {  	p1 =	sne.s32 s9, $0x32000;
	[sflag:s31] =	ssyncset.done $0x0  }
.Ltmp0:
0xae: {  	s8 =	sadd.s32 $0x1400, s8;
	[sflag:s31] =	ssyncadd.s32 $0xFFFFD800;
	(pc) =	sbr.rel @p1 .LBB2_2-.Ltmp0, $4  }
0xaf: {  	s10 =	sadd.s32 $0x1E80, s11;
	s4 =	sadd.s32 $0x1400, s4;
	_ =	swait.ge [sflag:s1], $0x2800  }
0xb0: {  	s12 =	sadd.s32 $0x1400, s12;
	s5 =	sadd.s32 $0x140, s5;
	[sflag:s1] =	ssyncset.done $0x0  }
0xb1: {  	s7 =	sadd.s32 $0x1400, s7;
	s17 =	sadd.s32 $0x1E00, s11;
	[sflag:s1] =	ssyncadd.s32 $0xFFFFD800  }
0xb2: {  	[hbm4b:s17+s22] =	stream.strided.scatter [tilespmem:s24], [sflag:$0xC], $0x2800, s23, s22, $0x38;
	[tilespmem:$0x15900] =	vst v63  }
0xb3: {  	[hbm4b:s10+s22] =	stream.strided.scatter [tilespmem:s25], [sflag:$0x10], $0x2800, s23, s22, $0x38;
	[tilespmem:$0x15900] =	vst v63  }
0xb4: {  	s6 =	simm.s32 @!p0 $0xB  }
0xb5: {  	_ =	swait.ge @!p0 [sflag:s6], $0x2800  }
0xb6: {  	[sflag:s6] =	ssyncset.done @!p0 $0x0  }
0xb7: {  	[sflag:s6] =	ssyncadd.s32 @!p0 $0xFFFFD800;
	s6 =	simm.s32 @!p0 $0xF  }
0xb8: {  	_ =	swait.ge @!p0 [sflag:s6], $0x2800  }
0xb9: {  	[sflag:s6] =	ssyncset.done @!p0 $0x0  }
0xba: {  	[sflag:s6] =	ssyncadd.s32 @!p0 $0xFFFFD800  }
0xbb: {  	[tilespmem:s18], [sflag:$0x3] =	stream.linear.gather [hbm4b:s8+s3], $0x2800, $0x38;
	[tilespmem:$0x15900] =	vst v63  }
0xbc: {  	s13 =	sadd.s32 $0xFFFFFFB0, s5  }
0xbd: {  	[tilespmem:s19], [sflag:$0x7] =	stream.indirect.gather [hbm4b:s2+s14], $0x80, s13, s14, $0xb8;
	[tilespmem:$0x15900] =	vst v63  }
0xbe: {  	_ =	swait.ge [sflag:s20], $0x2800  }
0xbf: {  	[sflag:s20] =	ssyncset.done $0x0  }
0xc0: {  	[sflag:s20] =	ssyncadd.s32 $0xFFFFD800  }
0xc1: {  	_ =	swait.ge [sflag:s21], $0x2800  }
0xc2: {  	s15 =	rddreg [dreg:$0x5];
	[sflag:s21] =	ssyncset.done $0x0  }
0xc3: {  	s16 =	simm.s32 $0x1900;
	[sflag:s21] =	ssyncadd.s32 $0xFFFFD800;
	s6 =	sadd.s32 s0, s15  }
0xc4: {  	[hbm4b:s6+s22] =	stream.strided.scatter [tilespmem:s16], [sflag:$0x9], $0x2800, s23, s22, $0x38;
	[tilespmem:$0x15900] =	vst v63  }
0xc5: {  	s9 =	simm.s32 $0xB900;
	s8 =	simm.s32 @!p0 $0xC;
	s17 =	sadd.s32 $0x80, s6  }
0xc6: {  	[hbm4b:s17+s22] =	stream.strided.scatter [tilespmem:s9], [sflag:$0xD], $0x2800, s23, s22, $0x38;
	[tilespmem:$0x15900] =	vst v63  }
0xc7: {  	_ =	swait.ge @!p0 [sflag:s8], $0x2800  }
0xc8: {  	[sflag:s8] =	ssyncset.done @!p0 $0x0  }
0xc9: {  	[sflag:s8] =	ssyncadd.s32 @!p0 $0xFFFFD800;
	s8 =	simm.s32 @!p0 $0x10  }
0xca: {  	_ =	swait.ge @!p0 [sflag:s8], $0x2800  }
0xcb: {  	[sflag:s8] =	ssyncset.done @!p0 $0x0  }
0xcc: {  	[sflag:s8] =	ssyncadd.s32 @!p0 $0xFFFFD800  }
0xcd: {  	[tilespmem:s24], [sflag:$0x4] =	stream.linear.gather [hbm4b:s4+s3], $0x2800, $0x38;
	[tilespmem:$0x15900] =	vst v63  }
0xce: {  	_ = 	snop  }
0xcf: {  	[tilespmem:s25], [sflag:$0x8] =	stream.indirect.gather [hbm4b:s2+s14], $0x80, s5, s14, $0xb8;
	[tilespmem:$0x15900] =	vst v63  }
0xd0: {  	_ =	swait.ge [sflag:s26], $0x2800  }
0xd1: {  	[sflag:s26] =	ssyncset.done $0x0  }
0xd2: {  	[sflag:s26] =	ssyncadd.s32 $0xFFFFD800  }
0xd3: {  	_ =	swait.ge [sflag:s28], $0x2800  }
0xd4: {  	s11 =	simm.s32 $0x4100;
	[sflag:s28] =	ssyncset.done $0x0  }
0xd5: {  	s10 =	sadd.s32 $0xA00, s6;
	p0 =	seq.s32 s0, $0x2F800;
	[sflag:s28] =	ssyncadd.s32 $0xFFFFD800  }
0xd6: {  	[hbm4b:s10+s22] =	stream.strided.scatter [tilespmem:s11], [sflag:$0xA], $0x2800, s23, s22, $0x38;
	[tilespmem:$0x15900] =	vst v63  }
0xd7: {  	s15 =	simm.s32 $0xE100;
	s13 =	sadd.s32 $0xA80, s6;
	s0 =	simm.s32 @!p0 $0x9  }
0xd8: {  	[hbm4b:s13+s22] =	stream.strided.scatter [tilespmem:s15], [sflag:$0xE], $0x2800, s23, s22, $0x38;
	[tilespmem:$0x15900] =	vst v63  }
0xd9: {  	_ =	swait.ge @!p0 [sflag:s0], $0x2800  }
0xda: {  	[sflag:s0] =	ssyncset.done @!p0 $0x0  }
0xdb: {  	s4 =	simm.s32 @!p0 $0xD;
	[sflag:s0] =	ssyncadd.s32 @!p0 $0xFFFFD800  }
0xdc: {  	_ =	swait.ge @!p0 [sflag:s4], $0x2800  }
0xdd: {  	[sflag:s4] =	ssyncset.done @!p0 $0x0  }
0xde: {  	s8 =	simm.s32 @!p0 $0x1900;
	s0 =	simm.s32 @!p0 $0x0;
	[sflag:s4] =	ssyncadd.s32 @!p0 $0xFFFFD800  }
0xdf: {  	[tilespmem:s8], [sflag:$0x1] =	stream.linear.gather @!p0 [hbm4b:s12+s0], $0x2800, $0x38;
	[tilespmem:$0x15900] =	vst v63  }
0xe0: {  	s9 =	simm.s32 @!p0 $0x50;
	s4 =	simm.s32 @!p0 $0xB900;
	s8 =	sadd.s32 @!p0 $0x50, s5  }
0xe1: {  	[tilespmem:s4], [sflag:$0x5] =	stream.indirect.gather @!p0 [hbm4b:s2+s9], $0x80, s8, s9, $0xb8;
	[tilespmem:$0x15900] =	vst v63  }
0xe2: {  	_ =	swait.ge [sflag:s29], $0x2800  }
0xe3: {  	[sflag:s29] =	ssyncset.done $0x0  }
0xe4: {  	[sflag:s29] =	ssyncadd.s32 $0xFFFFD800  }
0xe5: {  	_ =	swait.ge [sflag:s30], $0x2800  }
0xe6: {  	[sflag:s30] =	ssyncset.done $0x0  }
0xe7: {  	s16 =	sadd.s32 $0x1400, s6;
	[sflag:s30] =	ssyncadd.s32 $0xFFFFD800  }
0xe8: {  	[hbm4b:s16+s22] =	stream.strided.scatter [tilespmem:s18], [sflag:$0xB], $0x2800, s23, s22, $0x38;
	[tilespmem:$0x15900] =	vst v63  }
0xe9: {  	s17 =	sadd.s32 $0x1480, s6;
	s4 =	simm.s32 @!p0 $0xA  }
0xea: {  	[hbm4b:s17+s22] =	stream.strided.scatter [tilespmem:s19], [sflag:$0xF], $0x2800, s23, s22, $0x38;
	[tilespmem:$0x15900] =	vst v63  }
0xeb: {  	_ =	swait.ge @!p0 [sflag:s4], $0x2800  }
0xec: {  	[sflag:s4] =	ssyncset.done @!p0 $0x0  }
0xed: {  	[sflag:s4] =	ssyncadd.s32 @!p0 $0xFFFFD800;
	s4 =	simm.s32 @!p0 $0xE  }
0xee: {  	_ =	swait.ge @!p0 [sflag:s4], $0x2800  }
0xef: {  	[sflag:s4] =	ssyncset.done @!p0 $0x0  }
0xf0: {  	[sflag:s4] =	ssyncadd.s32 @!p0 $0xFFFFD800;
	s4 =	simm.s32 @!p0 $0x4100  }
0xf1: {  	[tilespmem:s4], [sflag:$0x2] =	stream.linear.gather @!p0 [hbm4b:s7+s0], $0x2800, $0x38;
	[tilespmem:$0x15900] =	vst v63  }
0xf2: {  	s0 =	sadd.s32 @!p0 $0xA0, s5;
	s4 =	simm.s32 @!p0 $0xE100  }
0xf3: {  	[tilespmem:s4], [sflag:$0x6] =	stream.indirect.gather @!p0 [hbm4b:s2+s9], $0x80, s0, s9, $0xb8;
	[tilespmem:$0x15900] =	vst v63  }
0xf4: {  	_ =	swait.ge [sflag:s31], $0x2800  }
0xf5: {  	[sflag:s31] =	ssyncset.done $0x0  }
0xf6: {  	[sflag:s31] =	ssyncadd.s32 $0xFFFFD800  }
0xf7: {  	_ =	swait.ge [sflag:s1], $0x2800  }
0xf8: {  	[sflag:s1] =	ssyncset.done $0x0  }
0xf9: {  	s5 =	sadd.s32 $0x1E00, s6;
	[sflag:s1] =	ssyncadd.s32 $0xFFFFD800  }
0xfa: {  	[hbm4b:s5+s22] =	stream.strided.scatter [tilespmem:s24], [sflag:$0xC], $0x2800, s23, s22, $0x38;
	[tilespmem:$0x15900] =	vst v63  }
0xfb: {  	s6 =	sadd.s32 $0x1E80, s6;
	s7 =	simm.s32 $0x9  }
0xfc: {  	[hbm4b:s6+s22] =	stream.strided.scatter [tilespmem:s25], [sflag:$0x10], $0x2800, s23, s22, $0x38;
	[tilespmem:$0x15900] =	vst v63  }
0xfd: {  	_ =	swait.ge [sflag:s7], $0x2800  }
0xfe: {  	[sflag:s7] =	ssyncset.done $0x0  }
0xff: {  	s8 =	simm.s32 $0xD;
	[sflag:s7] =	ssyncadd.s32 $0xFFFFD800  }
0x100: {  	_ =	swait.ge [sflag:s8], $0x2800  }
0x101: {  	[sflag:s8] =	ssyncset.done $0x0  }
0x102: {  	s9 =	simm.s32 $0xA;
	[sflag:s8] =	ssyncadd.s32 $0xFFFFD800  }
0x103: {  	_ =	swait.ge [sflag:s9], $0x2800  }
0x104: {  	[sflag:s9] =	ssyncset.done $0x0  }
0x105: {  	s10 =	simm.s32 $0xE;
	[sflag:s9] =	ssyncadd.s32 $0xFFFFD800  }
0x106: {  	_ =	swait.ge [sflag:s10], $0x2800  }
0x107: {  	[sflag:s10] =	ssyncset.done $0x0  }
0x108: {  	s11 =	simm.s32 $0xB;
	[sflag:s10] =	ssyncadd.s32 $0xFFFFD800  }
0x109: {  	_ =	swait.ge [sflag:s11], $0x2800  }
0x10a: {  	[sflag:s11] =	ssyncset.done $0x0  }
0x10b: {  	s12 =	simm.s32 $0xF;
	[sflag:s11] =	ssyncadd.s32 $0xFFFFD800  }
0x10c: {  	_ =	swait.ge [sflag:s12], $0x2800  }
0x10d: {  	[sflag:s12] =	ssyncset.done $0x0  }
0x10e: {  	s13 =	simm.s32 $0xC;
	[sflag:s12] =	ssyncadd.s32 $0xFFFFD800  }
0x10f: {  	_ =	swait.ge [sflag:s13], $0x2800  }
0x110: {  	[sflag:s13] =	ssyncset.done $0x0  }
0x111: {  	s15 =	simm.s32 $0x10;
	[sflag:s13] =	ssyncadd.s32 $0xFFFFD800  }
0x112: {  	_ =	swait.ge [sflag:s15], $0x2800  }
0x113: {  	s16 =	rddreg [dreg:$0xe]  }
0x114: {  	s17 =	rddreg [dreg:$0x9];
	s5 =	sadd.s32 $0x1, s16  }
0x115: {  	p0 =	sne.s32 s5, s17  }
.Ltmp1:
0x116: {  	_ = 	snop;
	(pc) =	sbr.rel @p0 .LBB2_1-.Ltmp1, $3  }
0x117: {  	_ =	sdelay $0x1  }
0x118: {  	[sflag:s15] =	ssyncset.done $0x0  }
0x119: {  	[sflag:s15] =	ssyncadd.s32 $0xFFFFD800  }
0x11a: {  	_ =	sfence.sel $0x180000  }
0x11b: {  	[bflag:$0x0] =	sbarrier.arrive $0xFFFF  }
0x11c: {  	_ =	strace $0x90000047  }
0x11d: {  	s0 =	stileid.u32;
	[bflag:$0x2] =	sbarrier.arrive $0xFFFF  }
0x11e: {  	p0 =	sne.s32 s0, $0x0;
	s0 =	rddreg [dreg:$0x4]  }
0x11f: {  	s0 =	sadd.s32 @!p0 $0x100000, s0  }
0x120: {  	[sflag:s0] =	ssyncadd.tile.s32 @!p0 $0x1;
	_ =	shalt  }
.Lfunc_end2:
_tile_overlayer_lowered:
.L_overlay_start_2:
0x121: {  	(tag) =	ssettag $0x2  }
0x122: {  	s0 =	rddreg [dreg:$0x0];
	s2 =	stileid.u32  }
0x123: {  	s1 =	rddreg [dreg:$0x1];
	p0 =	sne.s32 s2, $0x0  }
0x124: {  	s3 =	rddreg [dreg:$0x2];
	[bflag:$0x3] =	sbarrier.arrive $0xFFFF;
	s2 =	simm.s32 @!p0 $0x1C11  }
0x125: {  	[timem:s3], [sflag:s2] =	dma.local @!p0 [hbm:s0], s1  }
0x126: {  	s0 =	simm.s32 @!p0 $0x11  }
0x127: {  	_ =	swait.ge @!p0 [sflag:s0], s1  }
0x128: {  	s1 =	ssub.s32 @!p0 $0x0, s1;
	[sflag:s0] =	ssyncset.done @!p0 $0x0  }
0x129: {  	[sflag:s0] =	ssyncadd.s32 @!p0 s1  }
0x12a: {  	[bflag:$0x3] =	sbarrier.arrive $0xFFFF  }
0x12b: {  	_ =	shalt  }

</sc_bundles>
